<compile_context>
chip_gen: v7x
topology: tpu7x:2x2x1
jax: 0.10.2.dev20260603
libtpu: 0.0.44.dev20260713+nightly
codegen_flags: <defaults>
</compile_context>

<pallas_src>
import functools

import jax
import jax.numpy as jnp
from jax import lax
from jax.experimental import pallas as pl
from jax.experimental.pallas import tpu as pltpu
from jax.experimental.pallas import tpu_sc as plsc

N_NODES = 10000
D = 128
N_EDGES = 320000
NUM_CORES = 2
NUM_SUBCORES = 16
NW = NUM_CORES * NUM_SUBCORES
K = 128
NCH = 80
NCH2 = NCH // 2
EPW = NCH * K
E_PAD = NW * EPW
N_ACC = 10240
RPS = N_ACC // NUM_SUBCORES
BLK = 1024


def _msg_matmul(x, wt, b):
  def body(x_ref, w_ref, b_ref, o_ref):
    o_ref[...] = (
        jnp.dot(x_ref[...], w_ref[...], preferred_element_type=jnp.float32)
        + b_ref[...]
    )
  return pl.pallas_call(
      body,
      grid=(pl.cdiv(N_NODES, BLK),),
      in_specs=[
          pl.BlockSpec((BLK, D), lambda j: (j, 0)),
          pl.BlockSpec((D, D), lambda j: (0, 0)),
          pl.BlockSpec((1, D), lambda j: (0, 0)),
      ],
      out_specs=pl.BlockSpec((BLK, D), lambda j: (j, 0)),
      out_shape=jax.ShapeDtypeStruct((N_NODES, D), jnp.float32),
  )(x, wt, b)


def _update_matmul(partials, wt, b):
  def body(p_ref, w_ref, b_ref, o_ref):
    s = p_ref[0] + p_ref[1]
    o_ref[...] = (
        jnp.dot(s, w_ref[...], preferred_element_type=jnp.float32) + b_ref[...]
    )
  return pl.pallas_call(
      body,
      grid=(pl.cdiv(N_NODES, BLK),),
      in_specs=[
          pl.BlockSpec((NUM_CORES, BLK, D), lambda j: (0, j, 0)),
          pl.BlockSpec((D, D), lambda j: (0, 0)),
          pl.BlockSpec((1, D), lambda j: (0, 0)),
      ],
      out_specs=pl.BlockSpec((BLK, D), lambda j: (j, 0)),
      out_shape=jax.ShapeDtypeStruct((N_NODES, D), jnp.float32),
  )(partials, wt, b)


@functools.cache
def _make_sc_gather_scatter_add():

  @functools.partial(
      pl.kernel,
      mesh=plsc.VectorSubcoreMesh(core_axis_name="c", subcore_axis_name="s"),
      out_type=jax.ShapeDtypeStruct((NUM_CORES, N_ACC, D), jnp.float32),
      scratch_types=[
          pltpu.VMEM((NCH2, K), jnp.int32),
          pltpu.VMEM((NCH2, K), jnp.int32),
          pltpu.VMEM((2, K, D), jnp.float32),
          pltpu.VMEM_SHARED((N_ACC, D), jnp.float32),
          pltpu.SemaphoreType.DMA,
          pltpu.SemaphoreType.DMA,
          pltpu.SemaphoreType.DMA,
          pltpu.SemaphoreType.DMA,
      ],
  )
  def _sc_gather_scatter_add(y_hbm, src_hbm, dst_hbm, zero_hbm, out_hbm,
                             src_v, dst_v, gbuf, agg_sh,
                             gsem0, gsem1, ssem0, ssem1):
    cid = lax.axis_index("c")
    sid = lax.axis_index("s")
    wid = sid * NUM_CORES + cid
    base = sid * RPS

    pltpu.sync_copy(zero_hbm, agg_sh.at[pl.ds(base, RPS)])
    plsc.subcore_barrier()

    for h in range(2):
      pltpu.sync_copy(src_hbm.at[wid].at[pl.ds(h * NCH2, NCH2)], src_v)
      pltpu.sync_copy(dst_hbm.at[wid].at[pl.ds(h * NCH2, NCH2)], dst_v)

      def pair(i, carry):
        j0 = 2 * i
        j1 = 2 * i + 1
        g0 = pltpu.async_copy(y_hbm.at[src_v.at[j0]], gbuf.at[0], gsem0)
        g1 = pltpu.async_copy(y_hbm.at[src_v.at[j1]], gbuf.at[1], gsem1)
        g0.wait()
        s0 = pltpu.async_copy(gbuf.at[0], agg_sh.at[dst_v.at[j0]], ssem0,
                              add=True)
        g1.wait()
        s1 = pltpu.async_copy(gbuf.at[1], agg_sh.at[dst_v.at[j1]], ssem1,
                              add=True)
        s0.wait()
        s1.wait()
        return carry

      lax.fori_loop(0, NCH2 // 2, pair, 0)

    plsc.subcore_barrier()
    pltpu.sync_copy(agg_sh.at[pl.ds(base, RPS)],
                    out_hbm.at[cid].at[pl.ds(base, RPS)])

  return _sc_gather_scatter_add


def kernel(x, edge_index, W_msg, b_msg, W_upd, b_upd):
  src = edge_index[0].astype(jnp.int32)
  dst = edge_index[1].astype(jnp.int32)
  pad = E_PAD - N_EDGES
  src_p = jnp.concatenate([src, jnp.zeros((pad,), jnp.int32)]).reshape(NW, NCH, K)
  dst_p = jnp.concatenate([dst, jnp.full((pad,), N_NODES, jnp.int32)]).reshape(NW, NCH, K)
  zero = jnp.zeros((RPS, D), jnp.float32)

  y = _msg_matmul(x, W_msg.T, b_msg.reshape(1, D))
  partials = _make_sc_gather_scatter_add()(y, src_p, dst_p, zero)
  return _update_matmul(partials, W_upd.T, b_upd.reshape(1, D))

# --- scband reference (transcript-rebuilt; emitter-appended) ---
"""Pipeline reference for scband-simple-message-passing-gnn-12120397710063 (READ-ONLY COPY).

The authoritative reference and input builder live on the scoring server;
editing this copy changes nothing except your own understanding.
"""

import jax, jax.numpy as jnp
import numpy as np

IN_CH = 128
OUT_CH = 128
N_NODES = 10000
N_EDGES = 320000

def setup_inputs(seed: int = 0) -> dict:
    key = jax.random.key(seed)
    k1, k2, k3, k4, k5, k6 = jax.random.split(key, 6)
    x = jax.random.normal(k1, (N_NODES, IN_CH), dtype=jnp.float32)
    edge_index = jax.random.randint(k2, (2, N_EDGES), 0, N_NODES, dtype=jnp.int64)
    lim_msg = 1.0 / np.sqrt(IN_CH)
    W_msg = jax.random.uniform(k3, (OUT_CH, IN_CH), minval=-lim_msg, maxval=lim_msg, dtype=jnp.float32)
    b_msg = jax.random.uniform(k4, (OUT_CH,), minval=-lim_msg, maxval=lim_msg, dtype=jnp.float32)
    lim_upd = 1.0 / np.sqrt(OUT_CH)
    W_upd = jax.random.uniform(k5, (OUT_CH, OUT_CH), minval=-lim_upd, maxval=lim_upd, dtype=jnp.float32)
    b_upd = jax.random.uniform(k6, (OUT_CH,), minval=-lim_upd, maxval=lim_upd, dtype=jnp.float32)
    return {"x": x, "edge_index": edge_index, "W_msg": W_msg, "b_msg": b_msg, "W_upd": W_upd, "b_upd": b_upd}

def reference(x, edge_index, W_msg, b_msg, W_upd, b_upd):
    num_nodes = x.shape[0]
    edge_sources = edge_index[0]
    edge_targets = edge_index[1]
    # message_transform(x[edge_sources]) -- gather then linear
    gathered = jnp.take(x, edge_sources, axis=0)
    messages = gathered @ W_msg.T + b_msg
    # scatter-add aggregation by target node
    aggregated = jnp.zeros((num_nodes, messages.shape[1]), dtype=messages.dtype)
    aggregated = aggregated.at[edge_targets].add(messages)
    # node_update linear
    updated_nodes = aggregated @ W_upd.T + b_upd
    return updated_nodes

if __name__ == "__main__":
    import jax
    _d = setup_inputs()
    print(jax.jit(kernel)(*tuple(_d.values())))

</pallas_src>

<mosaic_0001>
#map = affine_map<(d0, d1) -> (0, 0)>
#map1 = affine_map<(d0, d1) -> (0, 0, 0)>
module attributes {stable_mosaic.version = 14 : i64} {
  func.func @_sc_gather_scatter_add(%arg0: i32, %arg1: i32, %arg2: memref<10000x128xf32, #tpu.memory_space<hbm>>, %arg3: memref<32x80x128xi32, #tpu.memory_space<hbm>>, %arg4: memref<32x80x128xi32, #tpu.memory_space<hbm>>, %arg5: memref<640x128xf32, #tpu.memory_space<hbm>>, %arg6: memref<2x10240x128xf32, #tpu.memory_space<hbm>>, %arg7: memref<40x128xi32, #tpu.memory_space<vmem>>, %arg8: memref<40x128xi32, #tpu.memory_space<vmem>>, %arg9: memref<2x128x128xf32, #tpu.memory_space<vmem>>, %arg10: memref<10240x128xf32, #tpu.memory_space<vmem_shared>>, %arg11: memref<!tpu.dma_semaphore, #tpu.memory_space<semaphore_mem>>, %arg12: memref<!tpu.dma_semaphore, #tpu.memory_space<semaphore_mem>>, %arg13: memref<!tpu.dma_semaphore, #tpu.memory_space<semaphore_mem>>, %arg14: memref<!tpu.dma_semaphore, #tpu.memory_space<semaphore_mem>>) attributes {dimension_semantics = [#tpu.dimension_semantics<core_parallel>, #tpu.dimension_semantics<subcore_parallel>], iteration_bounds = array<i64: 2, 16>, scalar_prefetch = 0 : i64, scratch_operands = 8 : i64, tpu.core_type = #tpu.core_type<sc_vector_subcore>, window_params = [{transform_indices = #map}, {transform_indices = #map1}, {transform_indices = #map1}, {transform_indices = #map}, {transform_indices = #map1}]} {
    %mul3A = arith.constant 2 : i32
    %mul3A_0 = arith.muli %arg1, %mul3A : i32
    %add3A = arith.addi %mul3A_0, %arg0 : i32
    %mul3A_1 = arith.constant 640 : i32
    %mul3A_2 = arith.muli %arg1, %mul3A_1 : i32
    "tpu.region"() ({
      %run_scoped3A = tpu.sem_alloc : memref<!tpu.dma_semaphore, #tpu.memory_space<semaphore_mem>>
      %dma_start3A = arith.constant 0 : i32
      %dma_start3A_15 = tpu.memref_slice %arg10[%mul3A_2, %dma_start3A] : memref<10240x128xf32, #tpu.memory_space<vmem_shared>> -> memref<640x128xf32, #tpu.memory_space<vmem_shared>>
      tpu.enqueue_dma source(%arg5 : memref<640x128xf32, #tpu.memory_space<hbm>>) target(%dma_start3A_15 : memref<640x128xf32, #tpu.memory_space<vmem_shared>>) target_semaphore(%run_scoped3A : memref<!tpu.dma_semaphore, #tpu.memory_space<semaphore_mem>>)
      %dma_wait3A = arith.constant 0 : i32
      %dma_wait3A_16 = tpu.memref_slice %arg10[%mul3A_2, %dma_wait3A] : memref<10240x128xf32, #tpu.memory_space<vmem_shared>> -> memref<640x128xf32, #tpu.memory_space<vmem_shared>>
      tpu.wait_dma2 semaphore(%run_scoped3A : memref<!tpu.dma_semaphore, #tpu.memory_space<semaphore_mem>>) src(%arg5 : memref<640x128xf32, #tpu.memory_space<hbm>>) dst(%dma_wait3A_16 : memref<640x128xf32, #tpu.memory_space<vmem_shared>>)
      tpu.yield
    }) : () -> ()
    %barrier3A = arith.constant 0 : index
    tpu.barrier barrier_id(%barrier3A)
    "tpu.region"() ({
      %run_scoped3A = tpu.sem_alloc : memref<!tpu.dma_semaphore, #tpu.memory_space<semaphore_mem>>
      %dma_start3A = arith.constant 0 : i32
      %dma_start3A_15 = arith.constant 0 : i32
      %dma_start3A_16 = tpu.memref_slice %arg3[%add3A, %dma_start3A, %dma_start3A_15] : memref<32x80x128xi32, #tpu.memory_space<hbm>> -> memref<1x80x128xi32, #tpu.memory_space<hbm>>
      %dma_start3A_17 = tpu.memref_squeeze %dma_start3A_16 : memref<1x80x128xi32, #tpu.memory_space<hbm>> -> memref<80x128xi32, #tpu.memory_space<hbm>>
      %dma_start3A_18 = arith.constant 0 : i32
      %dma_start3A_19 = arith.constant 0 : i32
      %dma_start3A_20 = tpu.memref_slice %dma_start3A_17[%dma_start3A_18, %dma_start3A_19] : memref<80x128xi32, #tpu.memory_space<hbm>> -> memref<40x128xi32, #tpu.memory_space<hbm>>
      %dma_start3A_21 = arith.constant 0 : i32
      %dma_start3A_22 = arith.constant 0 : i32
      %dma_start3A_23 = tpu.memref_slice %arg3[%add3A, %dma_start3A_21, %dma_start3A_22] : memref<32x80x128xi32, #tpu.memory_space<hbm>> -> memref<1x80x128xi32, #tpu.memory_space<hbm>>
      %dma_start3A_24 = tpu.memref_squeeze %dma_start3A_23 : memref<1x80x128xi32, #tpu.memory_space<hbm>> -> memref<80x128xi32, #tpu.memory_space<hbm>>
      %dma_start3A_25 = arith.constant 0 : i32
      %dma_start3A_26 = arith.constant 0 : i32
      %dma_start3A_27 = tpu.memref_slice %dma_start3A_24[%dma_start3A_25, %dma_start3A_26] : memref<80x128xi32, #tpu.memory_space<hbm>> -> memref<40x128xi32, #tpu.memory_space<hbm>>
      tpu.enqueue_dma source(%dma_start3A_27 : memref<40x128xi32, #tpu.memory_space<hbm>>) target(%arg7 : memref<40x128xi32, #tpu.memory_space<vmem>>) target_semaphore(%run_scoped3A : memref<!tpu.dma_semaphore, #tpu.memory_space<semaphore_mem>>)
      %dma_wait3A = arith.constant 0 : i32
      %dma_wait3A_28 = arith.constant 0 : i32
      %dma_wait3A_29 = tpu.memref_slice %arg3[%add3A, %dma_wait3A, %dma_wait3A_28] : memref<32x80x128xi32, #tpu.memory_space<hbm>> -> memref<1x80x128xi32, #tpu.memory_space<hbm>>
      %dma_wait3A_30 = tpu.memref_squeeze %dma_wait3A_29 : memref<1x80x128xi32, #tpu.memory_space<hbm>> -> memref<80x128xi32, #tpu.memory_space<hbm>>
      %dma_wait3A_31 = arith.constant 0 : i32
      %dma_wait3A_32 = arith.constant 0 : i32
      %dma_wait3A_33 = tpu.memref_slice %dma_wait3A_30[%dma_wait3A_31, %dma_wait3A_32] : memref<80x128xi32, #tpu.memory_space<hbm>> -> memref<40x128xi32, #tpu.memory_space<hbm>>
      %dma_wait3A_34 = arith.constant 0 : i32
      %dma_wait3A_35 = arith.constant 0 : i32
      %dma_wait3A_36 = tpu.memref_slice %arg3[%add3A, %dma_wait3A_34, %dma_wait3A_35] : memref<32x80x128xi32, #tpu.memory_space<hbm>> -> memref<1x80x128xi32, #tpu.memory_space<hbm>>
      %dma_wait3A_37 = tpu.memref_squeeze %dma_wait3A_36 : memref<1x80x128xi32, #tpu.memory_space<hbm>> -> memref<80x128xi32, #tpu.memory_space<hbm>>
      %dma_wait3A_38 = arith.constant 0 : i32
      %dma_wait3A_39 = arith.constant 0 : i32
      %dma_wait3A_40 = tpu.memref_slice %dma_wait3A_37[%dma_wait3A_38, %dma_wait3A_39] : memref<80x128xi32, #tpu.memory_space<hbm>> -> memref<40x128xi32, #tpu.memory_space<hbm>>
      tpu.wait_dma2 semaphore(%run_scoped3A : memref<!tpu.dma_semaphore, #tpu.memory_space<semaphore_mem>>) src(%dma_wait3A_40 : memref<40x128xi32, #tpu.memory_space<hbm>>) dst(%arg7 : memref<40x128xi32, #tpu.memory_space<vmem>>)
      tpu.yield
    }) : () -> ()
    "tpu.region"() ({
      %run_scoped3A = tpu.sem_alloc : memref<!tpu.dma_semaphore, #tpu.memory_space<semaphore_mem>>
      %dma_start3A = arith.constant 0 : i32
      %dma_start3A_15 = arith.constant 0 : i32
      %dma_start3A_16 = tpu.memref_slice %arg4[%add3A, %dma_start3A, %dma_start3A_15] : memref<32x80x128xi32, #tpu.memory_space<hbm>> -> memref<1x80x128xi32, #tpu.memory_space<hbm>>
      %dma_start3A_17 = tpu.memref_squeeze %dma_start3A_16 : memref<1x80x128xi32, #tpu.memory_space<hbm>> -> memref<80x128xi32, #tpu.memory_space<hbm>>
      %dma_start3A_18 = arith.constant 0 : i32
      %dma_start3A_19 = arith.constant 0 : i32
      %dma_start3A_20 = tpu.memref_slice %dma_start3A_17[%dma_start3A_18, %dma_start3A_19] : memref<80x128xi32, #tpu.memory_space<hbm>> -> memref<40x128xi32, #tpu.memory_space<hbm>>
      %dma_start3A_21 = arith.constant 0 : i32
      %dma_start3A_22 = arith.constant 0 : i32
      %dma_start3A_23 = tpu.memref_slice %arg4[%add3A, %dma_start3A_21, %dma_start3A_22] : memref<32x80x128xi32, #tpu.memory_space<hbm>> -> memref<1x80x128xi32, #tpu.memory_space<hbm>>
      %dma_start3A_24 = tpu.memref_squeeze %dma_start3A_23 : memref<1x80x128xi32, #tpu.memory_space<hbm>> -> memref<80x128xi32, #tpu.memory_space<hbm>>
      %dma_start3A_25 = arith.constant 0 : i32
      %dma_start3A_26 = arith.constant 0 : i32
      %dma_start3A_27 = tpu.memref_slice %dma_start3A_24[%dma_start3A_25, %dma_start3A_26] : memref<80x128xi32, #tpu.memory_space<hbm>> -> memref<40x128xi32, #tpu.memory_space<hbm>>
      tpu.enqueue_dma source(%dma_start3A_27 : memref<40x128xi32, #tpu.memory_space<hbm>>) target(%arg8 : memref<40x128xi32, #tpu.memory_space<vmem>>) target_semaphore(%run_scoped3A : memref<!tpu.dma_semaphore, #tpu.memory_space<semaphore_mem>>)
      %dma_wait3A = arith.constant 0 : i32
      %dma_wait3A_28 = arith.constant 0 : i32
      %dma_wait3A_29 = tpu.memref_slice %arg4[%add3A, %dma_wait3A, %dma_wait3A_28] : memref<32x80x128xi32, #tpu.memory_space<hbm>> -> memref<1x80x128xi32, #tpu.memory_space<hbm>>
      %dma_wait3A_30 = tpu.memref_squeeze %dma_wait3A_29 : memref<1x80x128xi32, #tpu.memory_space<hbm>> -> memref<80x128xi32, #tpu.memory_space<hbm>>
      %dma_wait3A_31 = arith.constant 0 : i32
      %dma_wait3A_32 = arith.constant 0 : i32
      %dma_wait3A_33 = tpu.memref_slice %dma_wait3A_30[%dma_wait3A_31, %dma_wait3A_32] : memref<80x128xi32, #tpu.memory_space<hbm>> -> memref<40x128xi32, #tpu.memory_space<hbm>>
      %dma_wait3A_34 = arith.constant 0 : i32
      %dma_wait3A_35 = arith.constant 0 : i32
      %dma_wait3A_36 = tpu.memref_slice %arg4[%add3A, %dma_wait3A_34, %dma_wait3A_35] : memref<32x80x128xi32, #tpu.memory_space<hbm>> -> memref<1x80x128xi32, #tpu.memory_space<hbm>>
      %dma_wait3A_37 = tpu.memref_squeeze %dma_wait3A_36 : memref<1x80x128xi32, #tpu.memory_space<hbm>> -> memref<80x128xi32, #tpu.memory_space<hbm>>
      %dma_wait3A_38 = arith.constant 0 : i32
      %dma_wait3A_39 = arith.constant 0 : i32
      %dma_wait3A_40 = tpu.memref_slice %dma_wait3A_37[%dma_wait3A_38, %dma_wait3A_39] : memref<80x128xi32, #tpu.memory_space<hbm>> -> memref<40x128xi32, #tpu.memory_space<hbm>>
      tpu.wait_dma2 semaphore(%run_scoped3A : memref<!tpu.dma_semaphore, #tpu.memory_space<semaphore_mem>>) src(%dma_wait3A_40 : memref<40x128xi32, #tpu.memory_space<hbm>>) dst(%arg8 : memref<40x128xi32, #tpu.memory_space<vmem>>)
      tpu.yield
    }) : () -> ()
    %scan3A = arith.constant 0 : i32
    %scan3A_3 = arith.constant 0 : i32
    %scan3A_4 = arith.constant 20 : i32
    %scan3A_5 = arith.addi %scan3A_3, %scan3A_4 : i32
    %scan3A_6 = arith.constant 1 : i32
    scf.for %scan3A_15 = %scan3A_3 to %scan3A_5 step %scan3A_6  : i32 {
      %mul3A_16 = arith.constant 2 : i32
      %mul3A_17 = arith.muli %mul3A_16, %scan3A_15 : i32
      %mul3A_18 = arith.constant 2 : i32
      %mul3A_19 = arith.muli %mul3A_18, %scan3A_15 : i32
      %add3A_20 = arith.constant 1 : i32
      %add3A_21 = arith.addi %mul3A_19, %add3A_20 : i32
      %dma_start3A = arith.constant 0 : i32
      %dma_start3A_22 = arith.constant 0 : i32
      %dma_start3A_23 = arith.constant 0 : i32
      %dma_start3A_24 = tpu.memref_slice %arg9[%dma_start3A, %dma_start3A_22, %dma_start3A_23] : memref<2x128x128xf32, #tpu.memory_space<vmem>> -> memref<1x128x128xf32, #tpu.memory_space<vmem>>
      %dma_start3A_25 = tpu.memref_squeeze %dma_start3A_24 : memref<1x128x128xf32, #tpu.memory_space<vmem>> -> memref<128x128xf32, #tpu.memory_space<vmem>>
      %dma_start3A_26 = arith.constant 0 : i32
      %dma_start3A_27 = tpu.memref_slice %arg7[%mul3A_17, %dma_start3A_26] : memref<40x128xi32, #tpu.memory_space<vmem>> -> memref<1x128xi32, #tpu.memory_space<vmem>>
      %dma_start3A_28 = tpu.memref_squeeze %dma_start3A_27 : memref<1x128xi32, #tpu.memory_space<vmem>> -> memref<128xi32, #tpu.memory_space<vmem>>
      %dma_start3A_29 = arith.constant 0 : i32
      %dma_start3A_30 = arith.constant 0 : i32
      %dma_start3A_31 = tpu.memref_slice %arg2[%dma_start3A_29, %dma_start3A_30] : memref<10000x128xf32, #tpu.memory_space<hbm>> -> memref<10000x128xf32, #tpu.memory_space<hbm>>
      tpu.enqueue_indirect_dma source(%dma_start3A_31 : memref<10000x128xf32, #tpu.memory_space<hbm>>) target(%dma_start3A_25 : memref<128x128xf32, #tpu.memory_space<vmem>>) offsets(%dma_start3A_28 : memref<128xi32, #tpu.memory_space<vmem>>) semaphore(%arg11 : memref<!tpu.dma_semaphore, #tpu.memory_space<semaphore_mem>>)
      %dma_start3A_32 = arith.constant 1 : i32
      %dma_start3A_33 = arith.constant 0 : i32
      %dma_start3A_34 = arith.constant 0 : i32
      %dma_start3A_35 = tpu.memref_slice %arg9[%dma_start3A_32, %dma_start3A_33, %dma_start3A_34] : memref<2x128x128xf32, #tpu.memory_space<vmem>> -> memref<1x128x128xf32, #tpu.memory_space<vmem>>
      %dma_start3A_36 = tpu.memref_squeeze %dma_start3A_35 : memref<1x128x128xf32, #tpu.memory_space<vmem>> -> memref<128x128xf32, #tpu.memory_space<vmem>>
      %dma_start3A_37 = arith.constant 0 : i32
      %dma_start3A_38 = tpu.memref_slice %arg7[%add3A_21, %dma_start3A_37] : memref<40x128xi32, #tpu.memory_space<vmem>> -> memref<1x128xi32, #tpu.memory_space<vmem>>
      %dma_start3A_39 = tpu.memref_squeeze %dma_start3A_38 : memref<1x128xi32, #tpu.memory_space<vmem>> -> memref<128xi32, #tpu.memory_space<vmem>>
      %dma_start3A_40 = arith.constant 0 : i32
      %dma_start3A_41 = arith.constant 0 : i32
      %dma_start3A_42 = tpu.memref_slice %arg2[%dma_start3A_40, %dma_start3A_41] : memref<10000x128xf32, #tpu.memory_space<hbm>> -> memref<10000x128xf32, #tpu.memory_space<hbm>>
      tpu.enqueue_indirect_dma source(%dma_start3A_42 : memref<10000x128xf32, #tpu.memory_space<hbm>>) target(%dma_start3A_36 : memref<128x128xf32, #tpu.memory_space<vmem>>) offsets(%dma_start3A_39 : memref<128xi32, #tpu.memory_space<vmem>>) semaphore(%arg12 : memref<!tpu.dma_semaphore, #tpu.memory_space<semaphore_mem>>)
      %dma_wait3A = arith.constant 0 : i32
      %dma_wait3A_43 = arith.constant 0 : i32
      %dma_wait3A_44 = arith.constant 0 : i32
      %dma_wait3A_45 = tpu.memref_slice %arg9[%dma_wait3A, %dma_wait3A_43, %dma_wait3A_44] : memref<2x128x128xf32, #tpu.memory_space<vmem>> -> memref<1x128x128xf32, #tpu.memory_space<vmem>>
      %dma_wait3A_46 = tpu.memref_squeeze %dma_wait3A_45 : memref<1x128x128xf32, #tpu.memory_space<vmem>> -> memref<128x128xf32, #tpu.memory_space<vmem>>
      %dma_wait3A_47 = arith.constant 0 : i32
      %dma_wait3A_48 = tpu.memref_slice %arg7[%mul3A_17, %dma_wait3A_47] : memref<40x128xi32, #tpu.memory_space<vmem>> -> memref<1x128xi32, #tpu.memory_space<vmem>>
      %dma_wait3A_49 = tpu.memref_squeeze %dma_wait3A_48 : memref<1x128xi32, #tpu.memory_space<vmem>> -> memref<128xi32, #tpu.memory_space<vmem>>
      %dma_wait3A_50 = arith.constant 0 : i32
      %dma_wait3A_51 = arith.constant 0 : i32
      %dma_wait3A_52 = tpu.memref_slice %arg2[%dma_wait3A_50, %dma_wait3A_51] : memref<10000x128xf32, #tpu.memory_space<hbm>> -> memref<10000x128xf32, #tpu.memory_space<hbm>>
      tpu.wait_indirect_dma semaphore(%arg11 : memref<!tpu.dma_semaphore, #tpu.memory_space<semaphore_mem>>) src(%dma_wait3A_52 : memref<10000x128xf32, #tpu.memory_space<hbm>>) dst(%dma_wait3A_46 : memref<128x128xf32, #tpu.memory_space<vmem>>)
      %dma_start3A_53 = arith.constant 0 : i32
      %dma_start3A_54 = arith.constant 0 : i32
      %dma_start3A_55 = arith.constant 0 : i32
      %dma_start3A_56 = tpu.memref_slice %arg9[%dma_start3A_53, %dma_start3A_54, %dma_start3A_55] : memref<2x128x128xf32, #tpu.memory_space<vmem>> -> memref<1x128x128xf32, #tpu.memory_space<vmem>>
      %dma_start3A_57 = tpu.memref_squeeze %dma_start3A_56 : memref<1x128x128xf32, #tpu.memory_space<vmem>> -> memref<128x128xf32, #tpu.memory_space<vmem>>
      %dma_start3A_58 = arith.constant 0 : i32
      %dma_start3A_59 = tpu.memref_slice %arg8[%mul3A_17, %dma_start3A_58] : memref<40x128xi32, #tpu.memory_space<vmem>> -> memref<1x128xi32, #tpu.memory_space<vmem>>
      %dma_start3A_60 = tpu.memref_squeeze %dma_start3A_59 : memref<1x128xi32, #tpu.memory_space<vmem>> -> memref<128xi32, #tpu.memory_space<vmem>>
      %dma_start3A_61 = arith.constant 0 : i32
      %dma_start3A_62 = arith.constant 0 : i32
      %dma_start3A_63 = tpu.memref_slice %arg10[%dma_start3A_61, %dma_start3A_62] : memref<10240x128xf32, #tpu.memory_space<vmem_shared>> -> memref<10240x128xf32, #tpu.memory_space<vmem_shared>>
      tpu.enqueue_indirect_dma source(%dma_start3A_57 : memref<128x128xf32, #tpu.memory_space<vmem>>) target(%dma_start3A_63 : memref<10240x128xf32, #tpu.memory_space<vmem_shared>>) offsets(%dma_start3A_60 : memref<128xi32, #tpu.memory_space<vmem>>) semaphore(%arg13 : memref<!tpu.dma_semaphore, #tpu.memory_space<semaphore_mem>>) {add = true}
      %dma_wait3A_64 = arith.constant 1 : i32
      %dma_wait3A_65 = arith.constant 0 : i32
      %dma_wait3A_66 = arith.constant 0 : i32
      %dma_wait3A_67 = tpu.memref_slice %arg9[%dma_wait3A_64, %dma_wait3A_65, %dma_wait3A_66] : memref<2x128x128xf32, #tpu.memory_space<vmem>> -> memref<1x128x128xf32, #tpu.memory_space<vmem>>
      %dma_wait3A_68 = tpu.memref_squeeze %dma_wait3A_67 : memref<1x128x128xf32, #tpu.memory_space<vmem>> -> memref<128x128xf32, #tpu.memory_space<vmem>>
      %dma_wait3A_69 = arith.constant 0 : i32
      %dma_wait3A_70 = tpu.memref_slice %arg7[%add3A_21, %dma_wait3A_69] : memref<40x128xi32, #tpu.memory_space<vmem>> -> memref<1x128xi32, #tpu.memory_space<vmem>>
      %dma_wait3A_71 = tpu.memref_squeeze %dma_wait3A_70 : memref<1x128xi32, #tpu.memory_space<vmem>> -> memref<128xi32, #tpu.memory_space<vmem>>
      %dma_wait3A_72 = arith.constant 0 : i32
      %dma_wait3A_73 = arith.constant 0 : i32
      %dma_wait3A_74 = tpu.memref_slice %arg2[%dma_wait3A_72, %dma_wait3A_73] : memref<10000x128xf32, #tpu.memory_space<hbm>> -> memref<10000x128xf32, #tpu.memory_space<hbm>>
      tpu.wait_indirect_dma semaphore(%arg12 : memref<!tpu.dma_semaphore, #tpu.memory_space<semaphore_mem>>) src(%dma_wait3A_74 : memref<10000x128xf32, #tpu.memory_space<hbm>>) dst(%dma_wait3A_68 : memref<128x128xf32, #tpu.memory_space<vmem>>)
      %dma_start3A_75 = arith.constant 1 : i32
      %dma_start3A_76 = arith.constant 0 : i32
      %dma_start3A_77 = arith.constant 0 : i32
      %dma_start3A_78 = tpu.memref_slice %arg9[%dma_start3A_75, %dma_start3A_76, %dma_start3A_77] : memref<2x128x128xf32, #tpu.memory_space<vmem>> -> memref<1x128x128xf32, #tpu.memory_space<vmem>>
      %dma_start3A_79 = tpu.memref_squeeze %dma_start3A_78 : memref<1x128x128xf32, #tpu.memory_space<vmem>> -> memref<128x128xf32, #tpu.memory_space<vmem>>
      %dma_start3A_80 = arith.constant 0 : i32
      %dma_start3A_81 = tpu.memref_slice %arg8[%add3A_21, %dma_start3A_80] : memref<40x128xi32, #tpu.memory_space<vmem>> -> memref<1x128xi32, #tpu.memory_space<vmem>>
      %dma_start3A_82 = tpu.memref_squeeze %dma_start3A_81 : memref<1x128xi32, #tpu.memory_space<vmem>> -> memref<128xi32, #tpu.memory_space<vmem>>
      %dma_start3A_83 = arith.constant 0 : i32
      %dma_start3A_84 = arith.constant 0 : i32
      %dma_start3A_85 = tpu.memref_slice %arg10[%dma_start3A_83, %dma_start3A_84] : memref<10240x128xf32, #tpu.memory_space<vmem_shared>> -> memref<10240x128xf32, #tpu.memory_space<vmem_shared>>
      tpu.enqueue_indirect_dma source(%dma_start3A_79 : memref<128x128xf32, #tpu.memory_space<vmem>>) target(%dma_start3A_85 : memref<10240x128xf32, #tpu.memory_space<vmem_shared>>) offsets(%dma_start3A_82 : memref<128xi32, #tpu.memory_space<vmem>>) semaphore(%arg14 : memref<!tpu.dma_semaphore, #tpu.memory_space<semaphore_mem>>) {add = true}
      %dma_wait3A_86 = arith.constant 0 : i32
      %dma_wait3A_87 = arith.constant 0 : i32
      %dma_wait3A_88 = arith.constant 0 : i32
      %dma_wait3A_89 = tpu.memref_slice %arg9[%dma_wait3A_86, %dma_wait3A_87, %dma_wait3A_88] : memref<2x128x128xf32, #tpu.memory_space<vmem>> -> memref<1x128x128xf32, #tpu.memory_space<vmem>>
      %dma_wait3A_90 = tpu.memref_squeeze %dma_wait3A_89 : memref<1x128x128xf32, #tpu.memory_space<vmem>> -> memref<128x128xf32, #tpu.memory_space<vmem>>
      %dma_wait3A_91 = arith.constant 0 : i32
      %dma_wait3A_92 = tpu.memref_slice %arg8[%mul3A_17, %dma_wait3A_91] : memref<40x128xi32, #tpu.memory_space<vmem>> -> memref<1x128xi32, #tpu.memory_space<vmem>>
      %dma_wait3A_93 = tpu.memref_squeeze %dma_wait3A_92 : memref<1x128xi32, #tpu.memory_space<vmem>> -> memref<128xi32, #tpu.memory_space<vmem>>
      %dma_wait3A_94 = arith.constant 0 : i32
      %dma_wait3A_95 = arith.constant 0 : i32
      %dma_wait3A_96 = tpu.memref_slice %arg10[%dma_wait3A_94, %dma_wait3A_95] : memref<10240x128xf32, #tpu.memory_space<vmem_shared>> -> memref<10240x128xf32, #tpu.memory_space<vmem_shared>>
      tpu.wait_indirect_dma semaphore(%arg13 : memref<!tpu.dma_semaphore, #tpu.memory_space<semaphore_mem>>) src(%dma_wait3A_90 : memref<128x128xf32, #tpu.memory_space<vmem>>) dst(%dma_wait3A_96 : memref<10240x128xf32, #tpu.memory_space<vmem_shared>>)
      %dma_wait3A_97 = arith.constant 1 : i32
      %dma_wait3A_98 = arith.constant 0 : i32
      %dma_wait3A_99 = arith.constant 0 : i32
      %dma_wait3A_100 = tpu.memref_slice %arg9[%dma_wait3A_97, %dma_wait3A_98, %dma_wait3A_99] : memref<2x128x128xf32, #tpu.memory_space<vmem>> -> memref<1x128x128xf32, #tpu.memory_space<vmem>>
      %dma_wait3A_101 = tpu.memref_squeeze %dma_wait3A_100 : memref<1x128x128xf32, #tpu.memory_space<vmem>> -> memref<128x128xf32, #tpu.memory_space<vmem>>
      %dma_wait3A_102 = arith.constant 0 : i32
      %dma_wait3A_103 = tpu.memref_slice %arg8[%add3A_21, %dma_wait3A_102] : memref<40x128xi32, #tpu.memory_space<vmem>> -> memref<1x128xi32, #tpu.memory_space<vmem>>
      %dma_wait3A_104 = tpu.memref_squeeze %dma_wait3A_103 : memref<1x128xi32, #tpu.memory_space<vmem>> -> memref<128xi32, #tpu.memory_space<vmem>>
      %dma_wait3A_105 = arith.constant 0 : i32
      %dma_wait3A_106 = arith.constant 0 : i32
      %dma_wait3A_107 = tpu.memref_slice %arg10[%dma_wait3A_105, %dma_wait3A_106] : memref<10240x128xf32, #tpu.memory_space<vmem_shared>> -> memref<10240x128xf32, #tpu.memory_space<vmem_shared>>
      tpu.wait_indirect_dma semaphore(%arg14 : memref<!tpu.dma_semaphore, #tpu.memory_space<semaphore_mem>>) src(%dma_wait3A_101 : memref<128x128xf32, #tpu.memory_space<vmem>>) dst(%dma_wait3A_107 : memref<10240x128xf32, #tpu.memory_space<vmem_shared>>)
    }
    %scan3A_7 = arith.constant 20 : i32
    "tpu.region"() ({
      %run_scoped3A = tpu.sem_alloc : memref<!tpu.dma_semaphore, #tpu.memory_space<semaphore_mem>>
      %dma_start3A = arith.constant 0 : i32
      %dma_start3A_15 = arith.constant 0 : i32
      %dma_start3A_16 = tpu.memref_slice %arg3[%add3A, %dma_start3A, %dma_start3A_15] : memref<32x80x128xi32, #tpu.memory_space<hbm>> -> memref<1x80x128xi32, #tpu.memory_space<hbm>>
      %dma_start3A_17 = tpu.memref_squeeze %dma_start3A_16 : memref<1x80x128xi32, #tpu.memory_space<hbm>> -> memref<80x128xi32, #tpu.memory_space<hbm>>
      %dma_start3A_18 = arith.constant 40 : i32
      %dma_start3A_19 = arith.constant 0 : i32
      %dma_start3A_20 = tpu.memref_slice %dma_start3A_17[%dma_start3A_18, %dma_start3A_19] : memref<80x128xi32, #tpu.memory_space<hbm>> -> memref<40x128xi32, #tpu.memory_space<hbm>>
      %dma_start3A_21 = arith.constant 0 : i32
      %dma_start3A_22 = arith.constant 0 : i32
      %dma_start3A_23 = tpu.memref_slice %arg3[%add3A, %dma_start3A_21, %dma_start3A_22] : memref<32x80x128xi32, #tpu.memory_space<hbm>> -> memref<1x80x128xi32, #tpu.memory_space<hbm>>
      %dma_start3A_24 = tpu.memref_squeeze %dma_start3A_23 : memref<1x80x128xi32, #tpu.memory_space<hbm>> -> memref<80x128xi32, #tpu.memory_space<hbm>>
      %dma_start3A_25 = arith.constant 40 : i32
      %dma_start3A_26 = arith.constant 0 : i32
      %dma_start3A_27 = tpu.memref_slice %dma_start3A_24[%dma_start3A_25, %dma_start3A_26] : memref<80x128xi32, #tpu.memory_space<hbm>> -> memref<40x128xi32, #tpu.memory_space<hbm>>
      tpu.enqueue_dma source(%dma_start3A_27 : memref<40x128xi32, #tpu.memory_space<hbm>>) target(%arg7 : memref<40x128xi32, #tpu.memory_space<vmem>>) target_semaphore(%run_scoped3A : memref<!tpu.dma_semaphore, #tpu.memory_space<semaphore_mem>>)
      %dma_wait3A = arith.constant 0 : i32
      %dma_wait3A_28 = arith.constant 0 : i32
      %dma_wait3A_29 = tpu.memref_slice %arg3[%add3A, %dma_wait3A, %dma_wait3A_28] : memref<32x80x128xi32, #tpu.memory_space<hbm>> -> memref<1x80x128xi32, #tpu.memory_space<hbm>>
      %dma_wait3A_30 = tpu.memref_squeeze %dma_wait3A_29 : memref<1x80x128xi32, #tpu.memory_space<hbm>> -> memref<80x128xi32, #tpu.memory_space<hbm>>
      %dma_wait3A_31 = arith.constant 40 : i32
      %dma_wait3A_32 = arith.constant 0 : i32
      %dma_wait3A_33 = tpu.memref_slice %dma_wait3A_30[%dma_wait3A_31, %dma_wait3A_32] : memref<80x128xi32, #tpu.memory_space<hbm>> -> memref<40x128xi32, #tpu.memory_space<hbm>>
      %dma_wait3A_34 = arith.constant 0 : i32
      %dma_wait3A_35 = arith.constant 0 : i32
      %dma_wait3A_36 = tpu.memref_slice %arg3[%add3A, %dma_wait3A_34, %dma_wait3A_35] : memref<32x80x128xi32, #tpu.memory_space<hbm>> -> memref<1x80x128xi32, #tpu.memory_space<hbm>>
      %dma_wait3A_37 = tpu.memref_squeeze %dma_wait3A_36 : memref<1x80x128xi32, #tpu.memory_space<hbm>> -> memref<80x128xi32, #tpu.memory_space<hbm>>
      %dma_wait3A_38 = arith.constant 40 : i32
      %dma_wait3A_39 = arith.constant 0 : i32
      %dma_wait3A_40 = tpu.memref_slice %dma_wait3A_37[%dma_wait3A_38, %dma_wait3A_39] : memref<80x128xi32, #tpu.memory_space<hbm>> -> memref<40x128xi32, #tpu.memory_space<hbm>>
      tpu.wait_dma2 semaphore(%run_scoped3A : memref<!tpu.dma_semaphore, #tpu.memory_space<semaphore_mem>>) src(%dma_wait3A_40 : memref<40x128xi32, #tpu.memory_space<hbm>>) dst(%arg7 : memref<40x128xi32, #tpu.memory_space<vmem>>)
      tpu.yield
    }) : () -> ()
    "tpu.region"() ({
      %run_scoped3A = tpu.sem_alloc : memref<!tpu.dma_semaphore, #tpu.memory_space<semaphore_mem>>
      %dma_start3A = arith.constant 0 : i32
      %dma_start3A_15 = arith.constant 0 : i32
      %dma_start3A_16 = tpu.memref_slice %arg4[%add3A, %dma_start3A, %dma_start3A_15] : memref<32x80x128xi32, #tpu.memory_space<hbm>> -> memref<1x80x128xi32, #tpu.memory_space<hbm>>
      %dma_start3A_17 = tpu.memref_squeeze %dma_start3A_16 : memref<1x80x128xi32, #tpu.memory_space<hbm>> -> memref<80x128xi32, #tpu.memory_space<hbm>>
      %dma_start3A_18 = arith.constant 40 : i32
      %dma_start3A_19 = arith.constant 0 : i32
      %dma_start3A_20 = tpu.memref_slice %dma_start3A_17[%dma_start3A_18, %dma_start3A_19] : memref<80x128xi32, #tpu.memory_space<hbm>> -> memref<40x128xi32, #tpu.memory_space<hbm>>
      %dma_start3A_21 = arith.constant 0 : i32
      %dma_start3A_22 = arith.constant 0 : i32
      %dma_start3A_23 = tpu.memref_slice %arg4[%add3A, %dma_start3A_21, %dma_start3A_22] : memref<32x80x128xi32, #tpu.memory_space<hbm>> -> memref<1x80x128xi32, #tpu.memory_space<hbm>>
      %dma_start3A_24 = tpu.memref_squeeze %dma_start3A_23 : memref<1x80x128xi32, #tpu.memory_space<hbm>> -> memref<80x128xi32, #tpu.memory_space<hbm>>
      %dma_start3A_25 = arith.constant 40 : i32
      %dma_start3A_26 = arith.constant 0 : i32
      %dma_start3A_27 = tpu.memref_slice %dma_start3A_24[%dma_start3A_25, %dma_start3A_26] : memref<80x128xi32, #tpu.memory_space<hbm>> -> memref<40x128xi32, #tpu.memory_space<hbm>>
      tpu.enqueue_dma source(%dma_start3A_27 : memref<40x128xi32, #tpu.memory_space<hbm>>) target(%arg8 : memref<40x128xi32, #tpu.memory_space<vmem>>) target_semaphore(%run_scoped3A : memref<!tpu.dma_semaphore, #tpu.memory_space<semaphore_mem>>)
      %dma_wait3A = arith.constant 0 : i32
      %dma_wait3A_28 = arith.constant 0 : i32
      %dma_wait3A_29 = tpu.memref_slice %arg4[%add3A, %dma_wait3A, %dma_wait3A_28] : memref<32x80x128xi32, #tpu.memory_space<hbm>> -> memref<1x80x128xi32, #tpu.memory_space<hbm>>
      %dma_wait3A_30 = tpu.memref_squeeze %dma_wait3A_29 : memref<1x80x128xi32, #tpu.memory_space<hbm>> -> memref<80x128xi32, #tpu.memory_space<hbm>>
      %dma_wait3A_31 = arith.constant 40 : i32
      %dma_wait3A_32 = arith.constant 0 : i32
      %dma_wait3A_33 = tpu.memref_slice %dma_wait3A_30[%dma_wait3A_31, %dma_wait3A_32] : memref<80x128xi32, #tpu.memory_space<hbm>> -> memref<40x128xi32, #tpu.memory_space<hbm>>
      %dma_wait3A_34 = arith.constant 0 : i32
      %dma_wait3A_35 = arith.constant 0 : i32
      %dma_wait3A_36 = tpu.memref_slice %arg4[%add3A, %dma_wait3A_34, %dma_wait3A_35] : memref<32x80x128xi32, #tpu.memory_space<hbm>> -> memref<1x80x128xi32, #tpu.memory_space<hbm>>
      %dma_wait3A_37 = tpu.memref_squeeze %dma_wait3A_36 : memref<1x80x128xi32, #tpu.memory_space<hbm>> -> memref<80x128xi32, #tpu.memory_space<hbm>>
      %dma_wait3A_38 = arith.constant 40 : i32
      %dma_wait3A_39 = arith.constant 0 : i32
      %dma_wait3A_40 = tpu.memref_slice %dma_wait3A_37[%dma_wait3A_38, %dma_wait3A_39] : memref<80x128xi32, #tpu.memory_space<hbm>> -> memref<40x128xi32, #tpu.memory_space<hbm>>
      tpu.wait_dma2 semaphore(%run_scoped3A : memref<!tpu.dma_semaphore, #tpu.memory_space<semaphore_mem>>) src(%dma_wait3A_40 : memref<40x128xi32, #tpu.memory_space<hbm>>) dst(%arg8 : memref<40x128xi32, #tpu.memory_space<vmem>>)
      tpu.yield
    }) : () -> ()
    %scan3A_8 = arith.constant 0 : i32
    %scan3A_9 = arith.constant 0 : i32
    %scan3A_10 = arith.constant 20 : i32
    %scan3A_11 = arith.addi %scan3A_9, %scan3A_10 : i32
    %scan3A_12 = arith.constant 1 : i32
    scf.for %scan3A_15 = %scan3A_9 to %scan3A_11 step %scan3A_12  : i32 {
      %mul3A_16 = arith.constant 2 : i32
      %mul3A_17 = arith.muli %mul3A_16, %scan3A_15 : i32
      %mul3A_18 = arith.constant 2 : i32
      %mul3A_19 = arith.muli %mul3A_18, %scan3A_15 : i32
      %add3A_20 = arith.constant 1 : i32
      %add3A_21 = arith.addi %mul3A_19, %add3A_20 : i32
      %dma_start3A = arith.constant 0 : i32
      %dma_start3A_22 = arith.constant 0 : i32
      %dma_start3A_23 = arith.constant 0 : i32
      %dma_start3A_24 = tpu.memref_slice %arg9[%dma_start3A, %dma_start3A_22, %dma_start3A_23] : memref<2x128x128xf32, #tpu.memory_space<vmem>> -> memref<1x128x128xf32, #tpu.memory_space<vmem>>
      %dma_start3A_25 = tpu.memref_squeeze %dma_start3A_24 : memref<1x128x128xf32, #tpu.memory_space<vmem>> -> memref<128x128xf32, #tpu.memory_space<vmem>>
      %dma_start3A_26 = arith.constant 0 : i32
      %dma_start3A_27 = tpu.memref_slice %arg7[%mul3A_17, %dma_start3A_26] : memref<40x128xi32, #tpu.memory_space<vmem>> -> memref<1x128xi32, #tpu.memory_space<vmem>>
      %dma_start3A_28 = tpu.memref_squeeze %dma_start3A_27 : memref<1x128xi32, #tpu.memory_space<vmem>> -> memref<128xi32, #tpu.memory_space<vmem>>
      %dma_start3A_29 = arith.constant 0 : i32
      %dma_start3A_30 = arith.constant 0 : i32
      %dma_start3A_31 = tpu.memref_slice %arg2[%dma_start3A_29, %dma_start3A_30] : memref<10000x128xf32, #tpu.memory_space<hbm>> -> memref<10000x128xf32, #tpu.memory_space<hbm>>
      tpu.enqueue_indirect_dma source(%dma_start3A_31 : memref<10000x128xf32, #tpu.memory_space<hbm>>) target(%dma_start3A_25 : memref<128x128xf32, #tpu.memory_space<vmem>>) offsets(%dma_start3A_28 : memref<128xi32, #tpu.memory_space<vmem>>) semaphore(%arg11 : memref<!tpu.dma_semaphore, #tpu.memory_space<semaphore_mem>>)
      %dma_start3A_32 = arith.constant 1 : i32
      %dma_start3A_33 = arith.constant 0 : i32
      %dma_start3A_34 = arith.constant 0 : i32
      %dma_start3A_35 = tpu.memref_slice %arg9[%dma_start3A_32, %dma_start3A_33, %dma_start3A_34] : memref<2x128x128xf32, #tpu.memory_space<vmem>> -> memref<1x128x128xf32, #tpu.memory_space<vmem>>
      %dma_start3A_36 = tpu.memref_squeeze %dma_start3A_35 : memref<1x128x128xf32, #tpu.memory_space<vmem>> -> memref<128x128xf32, #tpu.memory_space<vmem>>
      %dma_start3A_37 = arith.constant 0 : i32
      %dma_start3A_38 = tpu.memref_slice %arg7[%add3A_21, %dma_start3A_37] : memref<40x128xi32, #tpu.memory_space<vmem>> -> memref<1x128xi32, #tpu.memory_space<vmem>>
      %dma_start3A_39 = tpu.memref_squeeze %dma_start3A_38 : memref<1x128xi32, #tpu.memory_space<vmem>> -> memref<128xi32, #tpu.memory_space<vmem>>
      %dma_start3A_40 = arith.constant 0 : i32
      %dma_start3A_41 = arith.constant 0 : i32
      %dma_start3A_42 = tpu.memref_slice %arg2[%dma_start3A_40, %dma_start3A_41] : memref<10000x128xf32, #tpu.memory_space<hbm>> -> memref<10000x128xf32, #tpu.memory_space<hbm>>
      tpu.enqueue_indirect_dma source(%dma_start3A_42 : memref<10000x128xf32, #tpu.memory_space<hbm>>) target(%dma_start3A_36 : memref<128x128xf32, #tpu.memory_space<vmem>>) offsets(%dma_start3A_39 : memref<128xi32, #tpu.memory_space<vmem>>) semaphore(%arg12 : memref<!tpu.dma_semaphore, #tpu.memory_space<semaphore_mem>>)
      %dma_wait3A = arith.constant 0 : i32
      %dma_wait3A_43 = arith.constant 0 : i32
      %dma_wait3A_44 = arith.constant 0 : i32
      %dma_wait3A_45 = tpu.memref_slice %arg9[%dma_wait3A, %dma_wait3A_43, %dma_wait3A_44] : memref<2x128x128xf32, #tpu.memory_space<vmem>> -> memref<1x128x128xf32, #tpu.memory_space<vmem>>
      %dma_wait3A_46 = tpu.memref_squeeze %dma_wait3A_45 : memref<1x128x128xf32, #tpu.memory_space<vmem>> -> memref<128x128xf32, #tpu.memory_space<vmem>>
      %dma_wait3A_47 = arith.constant 0 : i32
      %dma_wait3A_48 = tpu.memref_slice %arg7[%mul3A_17, %dma_wait3A_47] : memref<40x128xi32, #tpu.memory_space<vmem>> -> memref<1x128xi32, #tpu.memory_space<vmem>>
      %dma_wait3A_49 = tpu.memref_squeeze %dma_wait3A_48 : memref<1x128xi32, #tpu.memory_space<vmem>> -> memref<128xi32, #tpu.memory_space<vmem>>
      %dma_wait3A_50 = arith.constant 0 : i32
      %dma_wait3A_51 = arith.constant 0 : i32
      %dma_wait3A_52 = tpu.memref_slice %arg2[%dma_wait3A_50, %dma_wait3A_51] : memref<10000x128xf32, #tpu.memory_space<hbm>> -> memref<10000x128xf32, #tpu.memory_space<hbm>>
      tpu.wait_indirect_dma semaphore(%arg11 : memref<!tpu.dma_semaphore, #tpu.memory_space<semaphore_mem>>) src(%dma_wait3A_52 : memref<10000x128xf32, #tpu.memory_space<hbm>>) dst(%dma_wait3A_46 : memref<128x128xf32, #tpu.memory_space<vmem>>)
      %dma_start3A_53 = arith.constant 0 : i32
      %dma_start3A_54 = arith.constant 0 : i32
      %dma_start3A_55 = arith.constant 0 : i32
      %dma_start3A_56 = tpu.memref_slice %arg9[%dma_start3A_53, %dma_start3A_54, %dma_start3A_55] : memref<2x128x128xf32, #tpu.memory_space<vmem>> -> memref<1x128x128xf32, #tpu.memory_space<vmem>>
      %dma_start3A_57 = tpu.memref_squeeze %dma_start3A_56 : memref<1x128x128xf32, #tpu.memory_space<vmem>> -> memref<128x128xf32, #tpu.memory_space<vmem>>
      %dma_start3A_58 = arith.constant 0 : i32
      %dma_start3A_59 = tpu.memref_slice %arg8[%mul3A_17, %dma_start3A_58] : memref<40x128xi32, #tpu.memory_space<vmem>> -> memref<1x128xi32, #tpu.memory_space<vmem>>
      %dma_start3A_60 = tpu.memref_squeeze %dma_start3A_59 : memref<1x128xi32, #tpu.memory_space<vmem>> -> memref<128xi32, #tpu.memory_space<vmem>>
      %dma_start3A_61 = arith.constant 0 : i32
      %dma_start3A_62 = arith.constant 0 : i32
      %dma_start3A_63 = tpu.memref_slice %arg10[%dma_start3A_61, %dma_start3A_62] : memref<10240x128xf32, #tpu.memory_space<vmem_shared>> -> memref<10240x128xf32, #tpu.memory_space<vmem_shared>>
      tpu.enqueue_indirect_dma source(%dma_start3A_57 : memref<128x128xf32, #tpu.memory_space<vmem>>) target(%dma_start3A_63 : memref<10240x128xf32, #tpu.memory_space<vmem_shared>>) offsets(%dma_start3A_60 : memref<128xi32, #tpu.memory_space<vmem>>) semaphore(%arg13 : memref<!tpu.dma_semaphore, #tpu.memory_space<semaphore_mem>>) {add = true}
      %dma_wait3A_64 = arith.constant 1 : i32
      %dma_wait3A_65 = arith.constant 0 : i32
      %dma_wait3A_66 = arith.constant 0 : i32
      %dma_wait3A_67 = tpu.memref_slice %arg9[%dma_wait3A_64, %dma_wait3A_65, %dma_wait3A_66] : memref<2x128x128xf32, #tpu.memory_space<vmem>> -> memref<1x128x128xf32, #tpu.memory_space<vmem>>
      %dma_wait3A_68 = tpu.memref_squeeze %dma_wait3A_67 : memref<1x128x128xf32, #tpu.memory_space<vmem>> -> memref<128x128xf32, #tpu.memory_space<vmem>>
      %dma_wait3A_69 = arith.constant 0 : i32
      %dma_wait3A_70 = tpu.memref_slice %arg7[%add3A_21, %dma_wait3A_69] : memref<40x128xi32, #tpu.memory_space<vmem>> -> memref<1x128xi32, #tpu.memory_space<vmem>>
      %dma_wait3A_71 = tpu.memref_squeeze %dma_wait3A_70 : memref<1x128xi32, #tpu.memory_space<vmem>> -> memref<128xi32, #tpu.memory_space<vmem>>
      %dma_wait3A_72 = arith.constant 0 : i32
      %dma_wait3A_73 = arith.constant 0 : i32
      %dma_wait3A_74 = tpu.memref_slice %arg2[%dma_wait3A_72, %dma_wait3A_73] : memref<10000x128xf32, #tpu.memory_space<hbm>> -> memref<10000x128xf32, #tpu.memory_space<hbm>>
      tpu.wait_indirect_dma semaphore(%arg12 : memref<!tpu.dma_semaphore, #tpu.memory_space<semaphore_mem>>) src(%dma_wait3A_74 : memref<10000x128xf32, #tpu.memory_space<hbm>>) dst(%dma_wait3A_68 : memref<128x128xf32, #tpu.memory_space<vmem>>)
      %dma_start3A_75 = arith.constant 1 : i32
      %dma_start3A_76 = arith.constant 0 : i32
      %dma_start3A_77 = arith.constant 0 : i32
      %dma_start3A_78 = tpu.memref_slice %arg9[%dma_start3A_75, %dma_start3A_76, %dma_start3A_77] : memref<2x128x128xf32, #tpu.memory_space<vmem>> -> memref<1x128x128xf32, #tpu.memory_space<vmem>>
      %dma_start3A_79 = tpu.memref_squeeze %dma_start3A_78 : memref<1x128x128xf32, #tpu.memory_space<vmem>> -> memref<128x128xf32, #tpu.memory_space<vmem>>
      %dma_start3A_80 = arith.constant 0 : i32
      %dma_start3A_81 = tpu.memref_slice %arg8[%add3A_21, %dma_start3A_80] : memref<40x128xi32, #tpu.memory_space<vmem>> -> memref<1x128xi32, #tpu.memory_space<vmem>>
      %dma_start3A_82 = tpu.memref_squeeze %dma_start3A_81 : memref<1x128xi32, #tpu.memory_space<vmem>> -> memref<128xi32, #tpu.memory_space<vmem>>
      %dma_start3A_83 = arith.constant 0 : i32
      %dma_start3A_84 = arith.constant 0 : i32
      %dma_start3A_85 = tpu.memref_slice %arg10[%dma_start3A_83, %dma_start3A_84] : memref<10240x128xf32, #tpu.memory_space<vmem_shared>> -> memref<10240x128xf32, #tpu.memory_space<vmem_shared>>
      tpu.enqueue_indirect_dma source(%dma_start3A_79 : memref<128x128xf32, #tpu.memory_space<vmem>>) target(%dma_start3A_85 : memref<10240x128xf32, #tpu.memory_space<vmem_shared>>) offsets(%dma_start3A_82 : memref<128xi32, #tpu.memory_space<vmem>>) semaphore(%arg14 : memref<!tpu.dma_semaphore, #tpu.memory_space<semaphore_mem>>) {add = true}
      %dma_wait3A_86 = arith.constant 0 : i32
      %dma_wait3A_87 = arith.constant 0 : i32
      %dma_wait3A_88 = arith.constant 0 : i32
      %dma_wait3A_89 = tpu.memref_slice %arg9[%dma_wait3A_86, %dma_wait3A_87, %dma_wait3A_88] : memref<2x128x128xf32, #tpu.memory_space<vmem>> -> memref<1x128x128xf32, #tpu.memory_space<vmem>>
      %dma_wait3A_90 = tpu.memref_squeeze %dma_wait3A_89 : memref<1x128x128xf32, #tpu.memory_space<vmem>> -> memref<128x128xf32, #tpu.memory_space<vmem>>
      %dma_wait3A_91 = arith.constant 0 : i32
      %dma_wait3A_92 = tpu.memref_slice %arg8[%mul3A_17, %dma_wait3A_91] : memref<40x128xi32, #tpu.memory_space<vmem>> -> memref<1x128xi32, #tpu.memory_space<vmem>>
      %dma_wait3A_93 = tpu.memref_squeeze %dma_wait3A_92 : memref<1x128xi32, #tpu.memory_space<vmem>> -> memref<128xi32, #tpu.memory_space<vmem>>
      %dma_wait3A_94 = arith.constant 0 : i32
      %dma_wait3A_95 = arith.constant 0 : i32
      %dma_wait3A_96 = tpu.memref_slice %arg10[%dma_wait3A_94, %dma_wait3A_95] : memref<10240x128xf32, #tpu.memory_space<vmem_shared>> -> memref<10240x128xf32, #tpu.memory_space<vmem_shared>>
      tpu.wait_indirect_dma semaphore(%arg13 : memref<!tpu.dma_semaphore, #tpu.memory_space<semaphore_mem>>) src(%dma_wait3A_90 : memref<128x128xf32, #tpu.memory_space<vmem>>) dst(%dma_wait3A_96 : memref<10240x128xf32, #tpu.memory_space<vmem_shared>>)
      %dma_wait3A_97 = arith.constant 1 : i32
      %dma_wait3A_98 = arith.constant 0 : i32
      %dma_wait3A_99 = arith.constant 0 : i32
      %dma_wait3A_100 = tpu.memref_slice %arg9[%dma_wait3A_97, %dma_wait3A_98, %dma_wait3A_99] : memref<2x128x128xf32, #tpu.memory_space<vmem>> -> memref<1x128x128xf32, #tpu.memory_space<vmem>>
      %dma_wait3A_101 = tpu.memref_squeeze %dma_wait3A_100 : memref<1x128x128xf32, #tpu.memory_space<vmem>> -> memref<128x128xf32, #tpu.memory_space<vmem>>
      %dma_wait3A_102 = arith.constant 0 : i32
      %dma_wait3A_103 = tpu.memref_slice %arg8[%add3A_21, %dma_wait3A_102] : memref<40x128xi32, #tpu.memory_space<vmem>> -> memref<1x128xi32, #tpu.memory_space<vmem>>
      %dma_wait3A_104 = tpu.memref_squeeze %dma_wait3A_103 : memref<1x128xi32, #tpu.memory_space<vmem>> -> memref<128xi32, #tpu.memory_space<vmem>>
      %dma_wait3A_105 = arith.constant 0 : i32
      %dma_wait3A_106 = arith.constant 0 : i32
      %dma_wait3A_107 = tpu.memref_slice %arg10[%dma_wait3A_105, %dma_wait3A_106] : memref<10240x128xf32, #tpu.memory_space<vmem_shared>> -> memref<10240x128xf32, #tpu.memory_space<vmem_shared>>
      tpu.wait_indirect_dma semaphore(%arg14 : memref<!tpu.dma_semaphore, #tpu.memory_space<semaphore_mem>>) src(%dma_wait3A_101 : memref<128x128xf32, #tpu.memory_space<vmem>>) dst(%dma_wait3A_107 : memref<10240x128xf32, #tpu.memory_space<vmem_shared>>)
    }
    %scan3A_13 = arith.constant 20 : i32
    %barrier3A_14 = arith.constant 0 : index
    tpu.barrier barrier_id(%barrier3A_14)
    "tpu.region"() ({
      %run_scoped3A = tpu.sem_alloc : memref<!tpu.dma_semaphore, #tpu.memory_space<semaphore_mem>>
      %dma_start3A = arith.constant 0 : i32
      %dma_start3A_15 = arith.constant 0 : i32
      %dma_start3A_16 = tpu.memref_slice %arg6[%arg0, %dma_start3A, %dma_start3A_15] : memref<2x10240x128xf32, #tpu.memory_space<hbm>> -> memref<1x10240x128xf32, #tpu.memory_space<hbm>>
      %dma_start3A_17 = tpu.memref_squeeze %dma_start3A_16 : memref<1x10240x128xf32, #tpu.memory_space<hbm>> -> memref<10240x128xf32, #tpu.memory_space<hbm>>
      %dma_start3A_18 = arith.constant 0 : i32
      %dma_start3A_19 = tpu.memref_slice %dma_start3A_17[%mul3A_2, %dma_start3A_18] : memref<10240x128xf32, #tpu.memory_space<hbm>> -> memref<640x128xf32, #tpu.memory_space<hbm>>
      %dma_start3A_20 = arith.constant 0 : i32
      %dma_start3A_21 = tpu.memref_slice %arg10[%mul3A_2, %dma_start3A_20] : memref<10240x128xf32, #tpu.memory_space<vmem_shared>> -> memref<640x128xf32, #tpu.memory_space<vmem_shared>>
      tpu.enqueue_dma source(%dma_start3A_21 : memref<640x128xf32, #tpu.memory_space<vmem_shared>>) target(%dma_start3A_19 : memref<640x128xf32, #tpu.memory_space<hbm>>) target_semaphore(%run_scoped3A : memref<!tpu.dma_semaphore, #tpu.memory_space<semaphore_mem>>)
      %dma_wait3A = arith.constant 0 : i32
      %dma_wait3A_22 = arith.constant 0 : i32
      %dma_wait3A_23 = tpu.memref_slice %arg6[%arg0, %dma_wait3A, %dma_wait3A_22] : memref<2x10240x128xf32, #tpu.memory_space<hbm>> -> memref<1x10240x128xf32, #tpu.memory_space<hbm>>
      %dma_wait3A_24 = tpu.memref_squeeze %dma_wait3A_23 : memref<1x10240x128xf32, #tpu.memory_space<hbm>> -> memref<10240x128xf32, #tpu.memory_space<hbm>>
      %dma_wait3A_25 = arith.constant 0 : i32
      %dma_wait3A_26 = tpu.memref_slice %dma_wait3A_24[%mul3A_2, %dma_wait3A_25] : memref<10240x128xf32, #tpu.memory_space<hbm>> -> memref<640x128xf32, #tpu.memory_space<hbm>>
      %dma_wait3A_27 = arith.constant 0 : i32
      %dma_wait3A_28 = tpu.memref_slice %arg10[%mul3A_2, %dma_wait3A_27] : memref<10240x128xf32, #tpu.memory_space<vmem_shared>> -> memref<640x128xf32, #tpu.memory_space<vmem_shared>>
      tpu.wait_dma2 semaphore(%run_scoped3A : memref<!tpu.dma_semaphore, #tpu.memory_space<semaphore_mem>>) src(%dma_wait3A_28 : memref<640x128xf32, #tpu.memory_space<vmem_shared>>) dst(%dma_wait3A_26 : memref<640x128xf32, #tpu.memory_space<hbm>>)
      tpu.yield
    }) : () -> ()
    return
  }
}

module attributes {stable_mosaic.version = 14 : i64} {
  func.func @body(%arg0: i32, %arg1: memref<1024x128xf32, #tpu.memory_space<vmem>>, %arg2: memref<128x128xf32, #tpu.memory_space<vmem>>, %arg3: memref<1x128xf32, #tpu.memory_space<vmem>>, %arg4: memref<1024x128xf32, #tpu.memory_space<vmem>>) attributes {dimension_semantics = [#tpu.dimension_semantics<arbitrary>], iteration_bounds = array<i64: 10>, scalar_prefetch = 0 : i64, scratch_operands = 0 : i64, tpu.core_type = #tpu.core_type<tc>, window_params = [{transform_indices = @transform_0, window_bounds = array<i64: 1024, 128>}, {pipeline_mode = #tpu.pipeline_mode<synchronous>, transform_indices = @transform_1, window_bounds = array<i64: 128, 128>}, {pipeline_mode = #tpu.pipeline_mode<synchronous>, transform_indices = @transform_2, window_bounds = array<i64: 1, 128>}, {transform_indices = @transform_3, window_bounds = array<i64: 1024, 128>}]} {
    %get3A = arith.constant 0 : index
    %get3A_0 = arith.constant 0 : index
    %get3A_1 = vector.load %arg1[%get3A, %get3A_0] : memref<1024x128xf32, #tpu.memory_space<vmem>>, vector<1024x128xf32>
    %get3A_2 = arith.constant 0 : index
    %get3A_3 = arith.constant 0 : index
    %get3A_4 = vector.load %arg2[%get3A_2, %get3A_3] : memref<128x128xf32, #tpu.memory_space<vmem>>, vector<128x128xf32>
    %dot_general3A = arith.constant dense<0.000000e+00> : vector<1024x128xf32>
    %dot_general3A_5 = tpu.matmul %get3A_1, %get3A_4, %dot_general3A {dimension_numbers = #tpu.dot_dimension_numbers<[1], [0], [0], [1], [0, 0, 1, 1], [], []>, transpose_lhs_hint = false} : vector<1024x128xf32>, vector<128x128xf32>, vector<1024x128xf32> -> vector<1024x128xf32>
    %get3A_6 = arith.constant 0 : index
    %get3A_7 = arith.constant 0 : index
    %get3A_8 = vector.load %arg3[%get3A_6, %get3A_7] : memref<1x128xf32, #tpu.memory_space<vmem>>, vector<1x128xf32>
    %add3A = vector.broadcast %get3A_8 : vector<1x128xf32> to vector<1024x128xf32>
    %add3A_9 = arith.addf %dot_general3A_5, %add3A : vector<1024x128xf32>
    %swap3A = arith.constant 0 : index
    %swap3A_10 = arith.constant 0 : index
    %swap3A_11 = vector.load %arg4[%swap3A, %swap3A_10] : memref<1024x128xf32, #tpu.memory_space<vmem>>, vector<1024x128xf32>
    tpu.vector_store %arg4[%swap3A, %swap3A_10], %add3A_9 {strides = array<i32>} : memref<1024x128xf32, #tpu.memory_space<vmem>>, vector<1024x128xf32>,
    return
  }
  func.func @transform_0(%arg0: i32) -> (i32, i32) {
    %c0_i32 = arith.constant 0 : i32
    %c0_i32_0 = arith.constant 0 : i32
    return %arg0, %c0_i32 : i32, i32
  }
  func.func @transform_1(%arg0: i32) -> (i32, i32) {
    %c0_i32 = arith.constant 0 : i32
    %c0_i32_0 = arith.constant 0 : i32
    %c0_i32_1 = arith.constant 0 : i32
    return %c0_i32, %c0_i32_0 : i32, i32
  }
  func.func @transform_2(%arg0: i32) -> (i32, i32) {
    %c0_i32 = arith.constant 0 : i32
    %c0_i32_0 = arith.constant 0 : i32
    %c0_i32_1 = arith.constant 0 : i32
    return %c0_i32, %c0_i32_0 : i32, i32
  }
  func.func @transform_3(%arg0: i32) -> (i32, i32) {
    %c0_i32 = arith.constant 0 : i32
    %c0_i32_0 = arith.constant 0 : i32
    return %arg0, %c0_i32 : i32, i32
  }
}

module attributes {stable_mosaic.version = 14 : i64} {
  func.func @body(%arg0: i32, %arg1: memref<2x1024x128xf32, #tpu.memory_space<vmem>>, %arg2: memref<128x128xf32, #tpu.memory_space<vmem>>, %arg3: memref<1x128xf32, #tpu.memory_space<vmem>>, %arg4: memref<1024x128xf32, #tpu.memory_space<vmem>>) attributes {dimension_semantics = [#tpu.dimension_semantics<arbitrary>], iteration_bounds = array<i64: 10>, scalar_prefetch = 0 : i64, scratch_operands = 0 : i64, tpu.core_type = #tpu.core_type<tc>, window_params = [{transform_indices = @transform_0, window_bounds = array<i64: 2, 1024, 128>}, {pipeline_mode = #tpu.pipeline_mode<synchronous>, transform_indices = @transform_1, window_bounds = array<i64: 128, 128>}, {pipeline_mode = #tpu.pipeline_mode<synchronous>, transform_indices = @transform_2, window_bounds = array<i64: 1, 128>}, {transform_indices = @transform_3, window_bounds = array<i64: 1024, 128>}]} {
    %get3A = arith.constant 0 : index
    %get3A_0 = arith.constant 0 : index
    %get3A_1 = arith.constant 0 : index
    %get3A_2 = vector.load %arg1[%get3A, %get3A_0, %get3A_1] : memref<2x1024x128xf32, #tpu.memory_space<vmem>>, vector<1x1024x128xf32>
    %get3A_3 = vector.shape_cast %get3A_2 : vector<1x1024x128xf32> to vector<1024x128xf32>
    %get3A_4 = arith.constant 1 : index
    %get3A_5 = arith.constant 0 : index
    %get3A_6 = arith.constant 0 : index
    %get3A_7 = vector.load %arg1[%get3A_4, %get3A_5, %get3A_6] : memref<2x1024x128xf32, #tpu.memory_space<vmem>>, vector<1x1024x128xf32>
    %get3A_8 = vector.shape_cast %get3A_7 : vector<1x1024x128xf32> to vector<1024x128xf32>
    %add3A = arith.addf %get3A_3, %get3A_8 : vector<1024x128xf32>
    %get3A_9 = arith.constant 0 : index
    %get3A_10 = arith.constant 0 : index
    %get3A_11 = vector.load %arg2[%get3A_9, %get3A_10] : memref<128x128xf32, #tpu.memory_space<vmem>>, vector<128x128xf32>
    %dot_general3A = arith.constant dense<0.000000e+00> : vector<1024x128xf32>
    %dot_general3A_12 = tpu.matmul %add3A, %get3A_11, %dot_general3A {dimension_numbers = #tpu.dot_dimension_numbers<[1], [0], [0], [1], [0, 0, 1, 1], [], []>, transpose_lhs_hint = false} : vector<1024x128xf32>, vector<128x128xf32>, vector<1024x128xf32> -> vector<1024x128xf32>
    %get3A_13 = arith.constant 0 : index
    %get3A_14 = arith.constant 0 : index
    %get3A_15 = vector.load %arg3[%get3A_13, %get3A_14] : memref<1x128xf32, #tpu.memory_space<vmem>>, vector<1x128xf32>
    %add3A_16 = vector.broadcast %get3A_15 : vector<1x128xf32> to vector<1024x128xf32>
    %add3A_17 = arith.addf %dot_general3A_12, %add3A_16 : vector<1024x128xf32>
    %swap3A = arith.constant 0 : index
    %swap3A_18 = arith.constant 0 : index
    %swap3A_19 = vector.load %arg4[%swap3A, %swap3A_18] : memref<1024x128xf32, #tpu.memory_space<vmem>>, vector<1024x128xf32>
    tpu.vector_store %arg4[%swap3A, %swap3A_18], %add3A_17 {strides = array<i32>} : memref<1024x128xf32, #tpu.memory_space<vmem>>, vector<1024x128xf32>,
    return
  }
  func.func @transform_0(%arg0: i32) -> (i32, i32, i32) {
    %c0_i32 = arith.constant 0 : i32
    %c0_i32_0 = arith.constant 0 : i32
    %c0_i32_1 = arith.constant 0 : i32
    return %c0_i32, %arg0, %c0_i32_0 : i32, i32, i32
  }
  func.func @transform_1(%arg0: i32) -> (i32, i32) {
    %c0_i32 = arith.constant 0 : i32
    %c0_i32_0 = arith.constant 0 : i32
    %c0_i32_1 = arith.constant 0 : i32
    return %c0_i32, %c0_i32_0 : i32, i32
  }
  func.func @transform_2(%arg0: i32) -> (i32, i32) {
    %c0_i32 = arith.constant 0 : i32
    %c0_i32_0 = arith.constant 0 : i32
    %c0_i32_1 = arith.constant 0 : i32
    return %c0_i32, %c0_i32_0 : i32, i32
  }
  func.func @transform_3(%arg0: i32) -> (i32, i32) {
    %c0_i32 = arith.constant 0 : i32
    %c0_i32_0 = arith.constant 0 : i32
    return %arg0, %c0_i32 : i32, i32
  }
}

</mosaic_0001>

<sc_bundles>
// kernel: kernel.5.cloned.1.call-start
scs
__scs_entry_jumppad:
0x0: {  	(pc) =	sbr.rel $0x88, $3  }
0x1: {  	(tag) =	ssettag $0x0;
	lr =	simm.s32 $0x1  }
0x2: {  	[smem:$0x3F9B] =	sst lr;
	_ =	strace $0xD0000000  }
0x3: {  	_ = 	snop  }
0x4: {  	_ = 	snop  }
0x5: {  	_ = 	snop  }
0x6: {  	_ = 	snop  }
0x7: {  	_ = 	snop  }
__scs_overlays_trampoline_lowered:
0x8: {  	[smem:$0x3FAA] =	sst s0  }
0x9: {  	[smem:$0x3FAB] =	sst s1  }
0xa: {  	[smem:$0x3FAC] =	sst s2  }
0xb: {  	[smem:$0x3FAD] =	sst s3  }
0xc: {  	[smem:$0x3FAE] =	sst s4  }
0xd: {  	[smem:$0x3FAF] =	sst s5  }
0xe: {  	[smem:$0x3FB0] =	sst s6  }
0xf: {  	[smem:$0x3FB1] =	sst s7  }
0x10: {  	[smem:$0x3FB2] =	sst s8  }
0x11: {  	[smem:$0x3FB3] =	sst s9;
	s0 =	simm.s32 @!p0 $0x0  }
0x12: {  	s1 =	sld [smem:$0x3F99];
	s0 =	simm.s32 @p0 $0x1  }
0x13: {  	[smem:$0x3FB4] =	sst s0;
	s0 =	simm.s32 @!p1 $0x0  }
0x14: {  	s2 =	sld [smem:$0x3F98];
	s0 =	simm.s32 @p1 $0x1  }
0x15: {  	[smem:$0x3FB5] =	sst s0;
	s0 =	simm.s32 @!p2 $0x0  }
0x16: {  	s3 =	sld [smem:$0x3FDB];
	s0 =	simm.s32 @p2 $0x1  }
0x17: {  	s4 =	simm.s32 $0x1BF5;
	[smem:$0x3FB7] =	sst s0  }
0x18: {  	s0 =	sld [smem:$0x3F9A];
	_ =	swait.ge [sflag:s4], $0x0  }
0x19: {  	s7 =	sld [smem:$0x3F9B]  }
0x1a: {  	s8 =	sadd.s32 $0xFFFFE003, lr  }
0x1b: {  	s9 =	sadd.s32 $0xFFFFFEF7, lr;
	s5 =	simm.s32 $0xFFFFFFFF;
	p2 =	slt.u32 s8, $0xFFFFF086  }
0x1c: {  	p1 =	slt.u32 s9, $0xF7A;
	s5 =	simm.s32 @!p2 $0x0  }
0x1d: {  	s5 =	simm.s32 @p1 $0x1;
	p0 =	seq.s32 s7, s2  }
0x1e: {  	s7 =	smul.u32 @!p0 $0xF7A, s2;
	p2 =	seq.s32 @!p0 s5, $0x0  }
0x1f: {  	s9 =	smul.u32 $0xF7A, s1;
	s8 =	simm.s32 @!p0 $0x1BF5;
	p2 =	por !p2, p0  }
0x20: {  	[sflag:s8] =	ssyncset.s32 @!p0 $0xFFFFF086;
	s6 =	sadd.s32 @!p0 s3, s7;
	s7 =	simm.s32 @!p0 $0x108  }
0x21: {  	s3 =	sadd.s32 s3, s9;
	s6 =	sadd.s32 @!p0 $0x88, s6;
	s7 =	simm.s32 @p2 $0x1082  }
0x22: {  	[simem:s7], [sflag:s8] =	dma.local @!p0 [hbm:s6], $0xF7A  }
0x23: {  	s9 =	sor.u32 $0xD0000000, s2;
	s6 =	simm.s32 $0x108;
	_ =	swait.ge @!p0 [sflag:s8], $0x0  }
0x24: {  	s3 =	sadd.s32 $0x88, s3;
	s6 =	simm.s32 @!p1 $0x1082;
	[sflag:s4] =	ssyncset.s32 $0xFFFFF086  }
0x25: {  	[simem:s6], [sflag:s4] =	dma.local [hbm:s3], $0xF7A  }
0x26: {  	[smem:$0x3F9B] =	sst s1;
	(tag) =	ssettag s2;
	_ =	strace s9  }
0x27: {  	s1 =	sld [smem:$0x3FAB]  }
0x28: {  	s2 =	sld [smem:$0x3FAC]  }
0x29: {  	s4 =	sld [smem:$0x3FAE]  }
0x2a: {  	p0 =	seq.s32 s5, $0x0;
	s5 =	sld [smem:$0x3FAF]  }
0x2b: {  	s6 =	sld [smem:$0x3FB0]  }
0x2c: {  	s7 =	sld [smem:$0x3FB1]  }
0x2d: {  	s3 =	simm.s32 $0x108;
	s8 =	sld [smem:$0x3FB2]  }
0x2e: {  	s3 =	simm.s32 @!p0 $0x1082;
	s9 =	sld [smem:$0x3FB3]  }
0x2f: {  	lr =	sadd.s32 s0, s3;
	s0 =	sld [smem:$0x3FAA]  }
0x30: {  	s3 =	sld [smem:$0x3FAD]  }
0x31: {  	[smem:$0x3FB6] =	sst s10  }
0x32: {  	s10 =	sld [smem:$0x3FB4];
	_ =	sdelay $0x3  }
0x33: {  	p0 =	seq.s32 s10, $0x1;
	s10 =	sld [smem:$0x3FB6];
	_ =	sdelay $0x3  }
0x34: {  	[smem:$0x3FB6] =	sst s10  }
0x35: {  	s10 =	sld [smem:$0x3FB5];
	_ =	sdelay $0x3  }
0x36: {  	p1 =	seq.s32 s10, $0x1;
	s10 =	sld [smem:$0x3FB6];
	_ =	sdelay $0x3  }
0x37: {  	[smem:$0x3FB6] =	sst s10  }
0x38: {  	s10 =	sld [smem:$0x3FB7]  }
0x39: {  	_ = 	snop;
	(pc) =	sbr.ind lr, $3  }
0x3a: {  	_ = 	snop  }
0x3b: {  	_ = 	snop  }
0x3c: {  	p2 =	seq.s32 s10, $0x1;
	s10 =	sld [smem:$0x3FB6]  }
0x3d: {  	_ =	shalt  }
0x3e: {  	_ =	shalt  }
0x3f: {  	_ =	shalt  }
0x40: {  	_ =	shalt  }
0x41: {  	_ =	shalt  }
0x42: {  	_ =	shalt  }
0x43: {  	_ =	shalt  }
0x44: {  	_ =	shalt  }
0x45: {  	_ =	shalt  }
0x46: {  	_ =	shalt  }
0x47: {  	_ =	shalt  }
0x48: {  	_ =	shalt  }
0x49: {  	_ =	shalt  }
0x4a: {  	_ =	shalt  }
0x4b: {  	_ =	shalt  }
0x4c: {  	_ =	shalt  }
0x4d: {  	_ =	shalt  }
0x4e: {  	_ =	shalt  }
0x4f: {  	_ =	shalt  }
0x50: {  	_ =	shalt  }
0x51: {  	_ =	shalt  }
0x52: {  	_ =	shalt  }
0x53: {  	_ =	shalt  }
0x54: {  	_ =	shalt  }
0x55: {  	_ =	shalt  }
0x56: {  	_ =	shalt  }
0x57: {  	_ =	shalt  }
0x58: {  	_ =	shalt  }
0x59: {  	_ =	shalt  }
0x5a: {  	_ =	shalt  }
0x5b: {  	_ =	shalt  }
0x5c: {  	_ =	shalt  }
0x5d: {  	_ =	shalt  }
0x5e: {  	_ =	shalt  }
0x5f: {  	_ =	shalt  }
0x60: {  	_ =	shalt  }
0x61: {  	_ =	shalt  }
0x62: {  	_ =	shalt  }
0x63: {  	_ =	shalt  }
0x64: {  	_ =	shalt  }
0x65: {  	_ =	shalt  }
0x66: {  	_ =	shalt  }
0x67: {  	_ =	shalt  }
0x68: {  	_ =	shalt  }
0x69: {  	_ =	shalt  }
0x6a: {  	_ =	shalt  }
0x6b: {  	_ =	shalt  }
0x6c: {  	_ =	shalt  }
0x6d: {  	_ =	shalt  }
0x6e: {  	_ =	shalt  }
0x6f: {  	_ =	shalt  }
0x70: {  	_ =	shalt  }
0x71: {  	_ =	shalt  }
0x72: {  	_ =	shalt  }
0x73: {  	_ =	shalt  }
0x74: {  	_ =	shalt  }
0x75: {  	_ =	shalt  }
0x76: {  	_ =	shalt  }
0x77: {  	_ =	shalt  }
0x78: {  	_ =	shalt  }
0x79: {  	_ =	shalt  }
0x7a: {  	_ =	shalt  }
0x7b: {  	_ =	shalt  }
0x7c: {  	_ =	shalt  }
0x7d: {  	_ =	shalt  }
0x7e: {  	_ =	shalt  }
0x7f: {  	_ =	shalt  }
0x80: {  	_ =	shalt  }
0x81: {  	_ =	shalt  }
0x82: {  	_ =	shalt  }
0x83: {  	_ =	shalt  }
0x84: {  	_ =	shalt  }
0x85: {  	_ =	shalt  }
0x86: {  	_ =	shalt  }
0x87: {  	_ =	shalt  }
.Lfunc_end0:
.L_simem_size_0:
called_computation_lowered:
.L_overlay_start_0:
0x88: {  	s2 =	sld [smem:$0x3FD9]  }
0x89: {  	s3 =	sld [smem:$0x3FFE];
	_ =	sdelay $0x1  }
0x8a: {  	s1 =	srdreg.scid  }
0x8b: {  	s0 =	sand.u32 $0x1, s1  }
0x8c: {  	s17 =	sshll.u32 s0, $0xA;
	s2 =	sadd.s32 s3, s2  }
0x8d: {  	s2 =	sadd.s32 s2, s17  }
0x8e: {  	[smem:$0x3FC2] =	sst s2  }
0x8f: {  	_ = 	snop  }
0x90: {  	s2 =	sld [smem:$0x3FD0];
	(tm) =	ssettm $0x1  }
0x91: {  	s18 =	sld [smem:$0x3FFB];
	_ =	sdelay $0x3  }
0x92: {  	_ =	strace s18  }
0x93: {  	s3 =	sld [smem:$0x3FFC];
	_ =	sdelay $0x3  }
0x94: {  	_ =	strace s3  }
0x95: {  	s3 =	sld [smem:$0x3FFD];
	_ =	sdelay $0x3  }
0x96: {  	_ =	strace s3  }
0x97: {  	_ =	strace $0x8FFFFFFF  }
0x98: {  	s19 =	sld [smem:$0x3FDB];
	_ =	sdelay $0x1  }
0x99: {  	s4 =	simm.s32 $_scs_section_size  }
0x9a: {  	s5 =	simm.s32 $_size__tile_overlayer_lowered;
	s6 =	simm.s32 $_tile_overlayer_lowered  }
0x9b: {  	s22 =	simm.s32 $0x1BFF;
	s21 =	sshll.u32 s6, $0x1;
	s3 =	sadd.s32 s4, s19  }
0x9c: {  	s7 =	simm.s32 $0x0;
	s20 =	sshll.u32 s5, $0x1;
	s5 =	sadd.s32 s21, s3  }
0x9d: {  	[timem:s7], [sflag:s22] =	dma.local [hbm:s5], s20  }
0x9e: {  	_ =	swait.ge [sflag:s22], s20  }
0x9f: {  	s4 =	ssub.s32 $0x0, s20;
	[sflag:s22] =	ssyncset.done $0x0  }
0xa0: {  	[sflag:s22] =	ssyncadd.s32 s4;
	_ =	sdelay $0x1  }
0xa1: {  	s23 =	simm.s32 $0x1B8B  }
0xa2: {  	_ =	swait.ge [sflag:s23], $0x1  }
0xa3: {  	[sflag:s23] =	ssyncset.done $0x0  }
0xa4: {  	s25 =	simm.s32 $0x1B8E;
	s24 =	sld [smem:$0x3FFE];
	[sflag:s23] =	ssyncadd.s32 $0xFFFFFFFF  }
0xa5: {  	s26 =	simm.s32 $execute0_lowered;
	[smem:$0x3FD2] =	sst s25  }
0xa6: {  	s5 =	sshll.u32 s26, $0x1;
	_ =	strace $0x80000046;
	[dreg:$0x1] =	wrdreg $0xFFFFFFFF  }
0xa7: {  	s28 =	simm.s32 $_size_execute0_lowered;
	s3 =	sadd.s32 s3, s5;
	[dreg:$0x0] =	wrdreg $0x0  }
0xa8: {  	s5 =	sshll.u32 s28, $0x1;
	[dreg:$0x2] =	wrdreg s3  }
0xa9: {  	[dreg:$0x3] =	wrdreg s5  }
0xaa: {  	[dreg:$0x4] =	wrdreg $0xC0  }
0xab: {  	_ =	task [dreg:s7], $0x5FFFF  }
0xac: {  	[dreg:$0x1] =	wrdreg $0xFFFFFFFF  }
0xad: {  	[dreg:$0x0] =	wrdreg $0x60  }
0xae: {  	[dreg:$0x2] =	wrdreg s2  }
0xaf: {  	[dreg:$0x3] =	wrdreg s24  }
0xb0: {  	[dreg:$0x4] =	wrdreg $0xA8000  }
0xb1: {  	[dreg:$0x5] =	wrdreg $0x9  }
0xb2: {  	_ =	task.clear_ibuf [dreg:s7], $0x6FFFF;
	_ =	strace $0x90000046  }
0xb3: {  	s29 =	simm.s32 $0x9;
	_ =	strace $0x80000048  }
0xb4: {  	_ =	swait.ge [sflag:s29], $0x1  }
0xb5: {  	[sflag:s29] =	ssyncadd.s32 $0xFFFFFFFF  }
0xb6: {  	_ =	strace $0x90000048  }
0xb7: {  	_ =	sfence  }
0xb8: {  	s30 =	sld [smem:$0x0];
	_ =	sdelay $0x2  }
0xb9: {  	s31 =	sshll.u32 s1, $0xD;
	s1 =	sshrl.u32 s1, $0x2  }
0xba: {  	s3 =	sand.u32 $0x4000, s31;
	s1 =	sadd.s32 s1, s30  }
0xbb: {  	s0 =	sor.u32 s3, s0;
	s1 =	sshll.u32 s1, $0x11  }
0xbc: {  	s0 =	sor.u32 s1, s0  }
0xbd: {  	s0 =	sadd.s32 $0x8F2B, s0  }
0xbe: {  	[sflag:s0] =	ssyncadd.remote.s32 $0x1  }
0xbf: {  	_ =	sfence.sel $0xFFFF  }
0xc0: {  	[dreg:$0x0] =	wrdreg $0xFFFFFFFF;
	(pc) =	sbr.abs _section_cstart, $3  }
0xc1: {  	[dreg:$0x1] =	wrdreg $0xFFFFFFFF  }
0xc2: {  	_ =	task.clear_ibuf [dreg:s7], $0x2FFFF;
	_ =	strace $0x9FFFFFFF  }
0xc3: {  	(tm) =	ssettm $0x7FFFFFFF  }
tec
execute0_lowered:
.L_overlay_start_1:
0x0: {  	(tag) =	ssettag $0x1  }
0x1: {  	s1 =	rddreg [dreg:$0x0]  }
0x2: {  	s6 =	rddreg [dreg:$0x1];
	s2 =	srdreg.scid  }
0x3: {  	s0 =	stileid.u32;
	s3 =	rddreg [dreg:$0x2]  }
0x4: {  	s4 =	simm.s32 $0x0;
	s13 =	simm.s32 $0x80;
	s14 =	simm.s32 $0x2800  }
0x5: {  	s15 =	simm.s32 $0x6800;
	s16 =	simm.s32 $0x1;
	s17 =	simm.s32 $0x2  }
0x6: {  	s18 =	simm.s32 $0x3;
	s19 =	simm.s32 $0x4;
	s5 =	sand.u32 $0x1, s2  }
0x7: {  	s7 =	sshll.u32 s0, $0x1;
	s2 =	rddreg [dreg:$0x3];
	s10 =	smul.u32 $0x50000, s0  }
0x8: {  	[smem:$0x7FF] =	sst s4;
	s31 =	sshll.u32 s0, $0x6;
	s23 =	smul.u32 $0x2800, s0  }
0x9: {  	s7 =	sor.u32 s5, s7;
	_ =	strace $0x80000047;
	s8 =	smul.u32 $0x28000, s5  }
0xa: {  	s28 =	ssub.s32 $0x2, s5;
	s5 =	sadd.s32 $0x14A00, s6;
	s7 =	smul.u32 $0x500, s7  }
0xb: {  	s29 =	sshrl.u32 s28, $0x1;
	s30 =	sshrl.u32 s10, $0x2;
	s11 =	sadd.s32 s8, s6  }
0xc: {  	s12 =	ssub.s32 s28, s29;
	s10 =	sadd.s32 s30, s3;
	s9 =	sadd.s32 s7, s6  }
0xd: {  	s6 =	sor.u32 $0x1C05, s31;
	s22 =	sadd.s32 $0x17200, s11;
	s10 =	sshrl.u32 s10, $0x3  }
0xe: {  	s11 =	simm.s32 $0x5;
	s7 =	sadd.s32 $0xA00, s9;
	s8 =	sadd.s32 $0xAA00, s9  }
0xf: {  	s9 =	smax.u32 s12, $0x1;
	s12 =	simm.s32 $0x1400;
	s22 =	sadd.s32 s23, s22  }
0x10: {  	s23 =	simm.s32 $0x0;
	s20 =	sadd.s32 $0x280, s7;
	s21 =	sadd.s32 $0x280, s8  }
.LBB2_1:
0x11: {  	[spmem:s10], [sflag:s6] =	dma.local [hbm:s5], $0x2800  }
0x12: {  	_ =	swait.ge [sflag:s11], $0x2800  }
0x13: {  	[sflag:s11] =	ssyncset.done $0x0  }
0x14: {  	[sflag:s11] =	ssyncadd.s32 $0xFFFFD800  }
0x15: {  	[bflag:$0x0] =	sbarrier.arrive $0xFFFF  }
0x16: {  	[tilespmem:s4], [sflag:$0x5] =	stream.linear.gather [hbm4b:s7+s4], $0x1400, $0x38;
	[tilespmem:$0x1E800] =	vst v63  }
0x17: {  	_ =	swait.ge [sflag:s11], $0x1400  }
0x18: {  	[sflag:s11] =	ssyncset.done $0x0  }
0x19: {  	[sflag:s11] =	ssyncadd.s32 $0xFFFFEC00  }
0x1a: {  	[tilespmem:s12], [sflag:$0x5] =	stream.linear.gather [hbm4b:s8+s4], $0x1400, $0x38;
	[tilespmem:$0x1E800] =	vst v63  }
0x1b: {  	_ =	swait.ge [sflag:s11], $0x1400  }
0x1c: {  	[sflag:s11] =	ssyncset.done $0x0  }
0x1d: {  	s24 =	simm.s32 $0x0;
	[sflag:s11] =	ssyncadd.s32 $0xFFFFEC00  }
0x1e: {  	[tilespmem:s14], [sflag:$0x1] =	stream.indirect.gather [hbm4b:s1+s13], $0x80, s24, s13, $0xb8;
	[tilespmem:$0x1E800] =	vst v63  }
0x1f: {  	s29 =	simm.s32 $0x80  }
0x20: {  	[tilespmem:s15], [sflag:$0x2] =	stream.indirect.gather [hbm4b:s1+s13], $0x80, s29, s13, $0xb8;
	[tilespmem:$0x1E800] =	vst v63  }
0x21: {  	_ =	swait.ge [sflag:s16], $0x4000  }
0x22: {  	[sflag:s16] =	ssyncset.done $0x0  }
0x23: {  	s30 =	simm.s32 $0x1400;
	[sflag:s16] =	ssyncadd.s32 $0xFFFFC000  }
0x24: {  	[spmem:s3] =	stream.indirect.scatter.add.f32 [tilespmem:s14], [sflag:$0x3], $0x80, s30, s13, $0xb8;
	[tilespmem:$0x1E800] =	vst v63  }
0x25: {  	_ =	swait.ge [sflag:s17], $0x4000  }
0x26: {  	[sflag:s17] =	ssyncset.done $0x0  }
0x27: {  	s31 =	simm.s32 $0x1480;
	[sflag:s17] =	ssyncadd.s32 $0xFFFFC000  }
0x28: {  	[spmem:s3] =	stream.indirect.scatter.add.f32 [tilespmem:s15], [sflag:$0x4], $0x80, s31, s13, $0xb8;
	[tilespmem:$0x1E800] =	vst v63  }
0x29: {  	_ =	swait.ge [sflag:s18], $0x4000  }
0x2a: {  	[sflag:s18] =	ssyncset.done $0x0  }
0x2b: {  	[sflag:s18] =	ssyncadd.s32 $0xFFFFC000  }
0x2c: {  	_ =	swait.ge [sflag:s19], $0x4000  }
0x2d: {  	s25 =	simm.s32 $0x800;
	s24 =	simm.s32 $0x400;
	[sflag:s19] =	ssyncset.done $0x0  }
.LBB2_2:
0x2e: {  	s26 =	sshra.s32 s24, $0x2  }
0x2f: {  	[sflag:s19] =	ssyncadd.s32 $0xFFFFC000;
	s24 =	smov.u32 s25;
	s28 =	sadd.s32 $0x400, s25  }
0x30: {  	[tilespmem:s14], [sflag:$0x1] =	stream.indirect.gather [hbm4b:s1+s13], $0x80, s26, s13, $0xb8;
	[tilespmem:$0x1E800] =	vst v63  }
0x31: {  	p0 =	sne.s32 s25, $0x4C00;
	s25 =	sadd.s32 $0x80, s26  }
0x32: {  	[tilespmem:s15], [sflag:$0x2] =	stream.indirect.gather [hbm4b:s1+s13], $0x80, s25, s13, $0xb8;
	[tilespmem:$0x1E800] =	vst v63  }
0x33: {  	_ =	swait.ge [sflag:s16], $0x4000  }
0x34: {  	[sflag:s16] =	ssyncset.done $0x0  }
0x35: {  	s25 =	sadd.s32 $0x1400, s26;
	[sflag:s16] =	ssyncadd.s32 $0xFFFFC000  }
0x36: {  	[spmem:s3] =	stream.indirect.scatter.add.f32 [tilespmem:s14], [sflag:$0x3], $0x80, s25, s13, $0xb8;
	[tilespmem:$0x1E800] =	vst v63  }
0x37: {  	_ =	swait.ge [sflag:s17], $0x4000  }
0x38: {  	[sflag:s17] =	ssyncset.done $0x0  }
0x39: {  	s25 =	sadd.s32 $0x1480, s26;
	[sflag:s17] =	ssyncadd.s32 $0xFFFFC000  }
0x3a: {  	[spmem:s3] =	stream.indirect.scatter.add.f32 [tilespmem:s15], [sflag:$0x4], $0x80, s25, s13, $0xb8;
	[tilespmem:$0x1E800] =	vst v63  }
.Ltmp0:
0x3b: {  	_ =	swait.ge [sflag:s18], $0x4000;
	(pc) =	sbr.rel @p0 .LBB2_2-.Ltmp0, $4  }
0x3c: {  	[sflag:s18] =	ssyncset.done $0x0  }
0x3d: {  	[sflag:s18] =	ssyncadd.s32 $0xFFFFC000  }
0x3e: {  	_ =	swait.ge [sflag:s19], $0x4000  }
0x3f: {  	s25 =	smov.u32 s28;
	[sflag:s19] =	ssyncset.done $0x0  }
0x40: {  	s24 =	sshra.s32 s24, $0x2;
	[sflag:s19] =	ssyncadd.s32 $0xFFFFC000  }
0x41: {  	[tilespmem:s14], [sflag:$0x1] =	stream.indirect.gather [hbm4b:s1+s13], $0x80, s24, s13, $0xb8;
	[tilespmem:$0x1E800] =	vst v63  }
0x42: {  	s25 =	sadd.s32 $0x80, s24  }
0x43: {  	[tilespmem:s15], [sflag:$0x2] =	stream.indirect.gather [hbm4b:s1+s13], $0x80, s25, s13, $0xb8;
	[tilespmem:$0x1E800] =	vst v63  }
0x44: {  	_ =	swait.ge [sflag:s16], $0x4000  }
0x45: {  	[sflag:s16] =	ssyncset.done $0x0  }
0x46: {  	s31 =	sadd.s32 $0x1400, s24;
	[sflag:s16] =	ssyncadd.s32 $0xFFFFC000  }
0x47: {  	[spmem:s3] =	stream.indirect.scatter.add.f32 [tilespmem:s14], [sflag:$0x3], $0x80, s31, s13, $0xb8;
	[tilespmem:$0x1E800] =	vst v63  }
0x48: {  	_ =	swait.ge [sflag:s17], $0x4000  }
0x49: {  	[sflag:s17] =	ssyncset.done $0x0  }
0x4a: {  	s24 =	sadd.s32 $0x1480, s24;
	[sflag:s17] =	ssyncadd.s32 $0xFFFFC000  }
0x4b: {  	[spmem:s3] =	stream.indirect.scatter.add.f32 [tilespmem:s15], [sflag:$0x4], $0x80, s24, s13, $0xb8;
	[tilespmem:$0x1E800] =	vst v63  }
0x4c: {  	_ =	swait.ge [sflag:s18], $0x4000  }
0x4d: {  	[sflag:s18] =	ssyncset.done $0x0  }
0x4e: {  	[sflag:s18] =	ssyncadd.s32 $0xFFFFC000  }
0x4f: {  	_ =	swait.ge [sflag:s19], $0x4000  }
0x50: {  	[sflag:s19] =	ssyncset.done $0x0  }
0x51: {  	s26 =	simm.s32 $0x0;
	[sflag:s19] =	ssyncadd.s32 $0xFFFFC000  }
0x52: {  	[tilespmem:s26], [sflag:$0x5] =	stream.linear.gather [hbm4b:s20+s26], $0x1400, $0x38;
	[tilespmem:$0x1E800] =	vst v63  }
0x53: {  	_ =	swait.ge [sflag:s11], $0x1400  }
0x54: {  	[sflag:s11] =	ssyncset.done $0x0  }
0x55: {  	[sflag:s11] =	ssyncadd.s32 $0xFFFFEC00  }
0x56: {  	[tilespmem:s12], [sflag:$0x5] =	stream.linear.gather [hbm4b:s21+s26], $0x1400, $0x38;
	[tilespmem:$0x1E800] =	vst v63  }
0x57: {  	_ =	swait.ge [sflag:s11], $0x1400  }
0x58: {  	[sflag:s11] =	ssyncset.done $0x0  }
0x59: {  	s28 =	simm.s32 $0x0;
	[sflag:s11] =	ssyncadd.s32 $0xFFFFEC00  }
0x5a: {  	[tilespmem:s14], [sflag:$0x1] =	stream.indirect.gather [hbm4b:s1+s13], $0x80, s28, s13, $0xb8;
	[tilespmem:$0x1E800] =	vst v63  }
0x5b: {  	s29 =	simm.s32 $0x80  }
0x5c: {  	[tilespmem:s15], [sflag:$0x2] =	stream.indirect.gather [hbm4b:s1+s13], $0x80, s29, s13, $0xb8;
	[tilespmem:$0x1E800] =	vst v63  }
0x5d: {  	_ =	swait.ge [sflag:s16], $0x4000  }
0x5e: {  	[sflag:s16] =	ssyncset.done $0x0  }
0x5f: {  	s30 =	simm.s32 $0x1400;
	[sflag:s16] =	ssyncadd.s32 $0xFFFFC000  }
0x60: {  	[spmem:s3] =	stream.indirect.scatter.add.f32 [tilespmem:s14], [sflag:$0x3], $0x80, s30, s13, $0xb8;
	[tilespmem:$0x1E800] =	vst v63  }
0x61: {  	_ =	swait.ge [sflag:s17], $0x4000  }
0x62: {  	[sflag:s17] =	ssyncset.done $0x0  }
0x63: {  	s31 =	simm.s32 $0x1480;
	[sflag:s17] =	ssyncadd.s32 $0xFFFFC000  }
0x64: {  	[spmem:s3] =	stream.indirect.scatter.add.f32 [tilespmem:s15], [sflag:$0x4], $0x80, s31, s13, $0xb8;
	[tilespmem:$0x1E800] =	vst v63  }
0x65: {  	_ =	swait.ge [sflag:s18], $0x4000  }
0x66: {  	[sflag:s18] =	ssyncset.done $0x0  }
0x67: {  	[sflag:s18] =	ssyncadd.s32 $0xFFFFC000  }
0x68: {  	_ =	swait.ge [sflag:s19], $0x4000  }
0x69: {  	s25 =	simm.s32 $0x800;
	s24 =	simm.s32 $0x400;
	[sflag:s19] =	ssyncset.done $0x0  }
.LBB2_4:
0x6a: {  	s26 =	sshra.s32 s24, $0x2  }
0x6b: {  	[sflag:s19] =	ssyncadd.s32 $0xFFFFC000;
	s24 =	smov.u32 s25;
	s28 =	sadd.s32 $0x400, s25  }
0x6c: {  	[tilespmem:s14], [sflag:$0x1] =	stream.indirect.gather [hbm4b:s1+s13], $0x80, s26, s13, $0xb8;
	[tilespmem:$0x1E800] =	vst v63  }
0x6d: {  	p0 =	sne.s32 s25, $0x4C00;
	s25 =	sadd.s32 $0x80, s26  }
0x6e: {  	[tilespmem:s15], [sflag:$0x2] =	stream.indirect.gather [hbm4b:s1+s13], $0x80, s25, s13, $0xb8;
	[tilespmem:$0x1E800] =	vst v63  }
0x6f: {  	_ =	swait.ge [sflag:s16], $0x4000  }
0x70: {  	[sflag:s16] =	ssyncset.done $0x0  }
0x71: {  	s25 =	sadd.s32 $0x1400, s26;
	[sflag:s16] =	ssyncadd.s32 $0xFFFFC000  }
0x72: {  	[spmem:s3] =	stream.indirect.scatter.add.f32 [tilespmem:s14], [sflag:$0x3], $0x80, s25, s13, $0xb8;
	[tilespmem:$0x1E800] =	vst v63  }
0x73: {  	_ =	swait.ge [sflag:s17], $0x4000  }
0x74: {  	[sflag:s17] =	ssyncset.done $0x0  }
0x75: {  	s25 =	sadd.s32 $0x1480, s26;
	[sflag:s17] =	ssyncadd.s32 $0xFFFFC000  }
0x76: {  	[spmem:s3] =	stream.indirect.scatter.add.f32 [tilespmem:s15], [sflag:$0x4], $0x80, s25, s13, $0xb8;
	[tilespmem:$0x1E800] =	vst v63  }
.Ltmp1:
0x77: {  	_ =	swait.ge [sflag:s18], $0x4000;
	(pc) =	sbr.rel @p0 .LBB2_4-.Ltmp1, $4  }
0x78: {  	[sflag:s18] =	ssyncset.done $0x0  }
0x79: {  	[sflag:s18] =	ssyncadd.s32 $0xFFFFC000  }
0x7a: {  	_ =	swait.ge [sflag:s19], $0x4000  }
0x7b: {  	s25 =	smov.u32 s28;
	[sflag:s19] =	ssyncset.done $0x0  }
0x7c: {  	s24 =	sshra.s32 s24, $0x2;
	[sflag:s19] =	ssyncadd.s32 $0xFFFFC000  }
0x7d: {  	[tilespmem:s14], [sflag:$0x1] =	stream.indirect.gather [hbm4b:s1+s13], $0x80, s24, s13, $0xb8;
	[tilespmem:$0x1E800] =	vst v63  }
0x7e: {  	s25 =	sadd.s32 $0x80, s24  }
0x7f: {  	[tilespmem:s15], [sflag:$0x2] =	stream.indirect.gather [hbm4b:s1+s13], $0x80, s25, s13, $0xb8;
	[tilespmem:$0x1E800] =	vst v63  }
0x80: {  	_ =	swait.ge [sflag:s16], $0x4000  }
0x81: {  	[sflag:s16] =	ssyncset.done $0x0  }
0x82: {  	s31 =	sadd.s32 $0x1400, s24;
	[sflag:s16] =	ssyncadd.s32 $0xFFFFC000  }
0x83: {  	[spmem:s3] =	stream.indirect.scatter.add.f32 [tilespmem:s14], [sflag:$0x3], $0x80, s31, s13, $0xb8;
	[tilespmem:$0x1E800] =	vst v63  }
0x84: {  	_ =	swait.ge [sflag:s17], $0x4000  }
0x85: {  	[sflag:s17] =	ssyncset.done $0x0  }
0x86: {  	s24 =	sadd.s32 $0x1480, s24;
	[sflag:s17] =	ssyncadd.s32 $0xFFFFC000  }
0x87: {  	[spmem:s3] =	stream.indirect.scatter.add.f32 [tilespmem:s15], [sflag:$0x4], $0x80, s24, s13, $0xb8;
	[tilespmem:$0x1E800] =	vst v63  }
0x88: {  	_ =	swait.ge [sflag:s18], $0x4000  }
0x89: {  	[sflag:s18] =	ssyncset.done $0x0  }
0x8a: {  	[sflag:s18] =	ssyncadd.s32 $0xFFFFC000  }
0x8b: {  	_ =	swait.ge [sflag:s19], $0x4000  }
0x8c: {  	s23 =	sadd.s32 $0x1, s23;
	[sflag:s19] =	ssyncset.done $0x0  }
0x8d: {  	p0 =	sne.s32 s23, s9;
	[sflag:s19] =	ssyncadd.s32 $0xFFFFC000  }
.Ltmp2:
0x8e: {  	[bflag:$0x0] =	sbarrier.arrive $0xFFFF;
	(pc) =	sbr.rel @p0 .LBB2_1-.Ltmp2, $4  }
0x8f: {  	[hbm:s22], [sflag:s6] =	dma.local [spmem:s10], $0x2800  }
0x90: {  	_ =	swait.ge [sflag:s11], $0x2800  }
0x91: {  	[sflag:s11] =	ssyncset.done $0x0  }
0x92: {  	[sflag:s11] =	ssyncadd.s32 $0xFFFFD800  }
0x93: {  	_ =	sfence.sel $0x180000  }
0x94: {  	[bflag:$0x0] =	sbarrier.arrive $0xFFFF  }
0x95: {  	p0 =	sne.s32 s0, $0x0;
	_ =	strace $0x90000047  }
0x96: {  	s0 =	sadd.s32 @!p0 $0x100000, s2;
	[bflag:$0x2] =	sbarrier.arrive $0xFFFF  }
0x97: {  	[sflag:s0] =	ssyncadd.tile.s32 @!p0 $0x1;
	_ =	shalt  }
.Lfunc_end2:
_tile_overlayer_lowered:
.L_overlay_start_2:
0x98: {  	(tag) =	ssettag $0x2  }
0x99: {  	s0 =	rddreg [dreg:$0x0];
	s2 =	stileid.u32  }
0x9a: {  	s1 =	rddreg [dreg:$0x1];
	p0 =	sne.s32 s2, $0x0  }
0x9b: {  	s3 =	rddreg [dreg:$0x2];
	[bflag:$0x3] =	sbarrier.arrive $0xFFFF;
	s2 =	simm.s32 @!p0 $0x1C05  }
0x9c: {  	[timem:s3], [sflag:s2] =	dma.local @!p0 [hbm:s0], s1  }
0x9d: {  	s0 =	simm.s32 @!p0 $0x5  }
0x9e: {  	_ =	swait.ge @!p0 [sflag:s0], s1  }
0x9f: {  	s1 =	ssub.s32 @!p0 $0x0, s1;
	[sflag:s0] =	ssyncset.done @!p0 $0x0  }
0xa0: {  	[sflag:s0] =	ssyncadd.s32 @!p0 s1  }
0xa1: {  	[bflag:$0x3] =	sbarrier.arrive $0xFFFF  }
0xa2: {  	_ =	shalt  }

</sc_bundles>
